<compile_context>
chip_gen: v7x
topology: tpu7x:2x2x1
jax: 0.10.2.dev20260603
libtpu: 0.0.44.dev20260713+nightly
codegen_flags: <defaults>
</compile_context>

<pallas_src>
import jax
import jax.numpy as jnp
from jax import lax
from jax.experimental import pallas as pl
from jax.experimental.pallas import tpu as pltpu
from jax.experimental.pallas import tpu_sc as plsc

_B, _L, _D = 4096, 200, 32
_V = 1000000
_N = _B * _L
_W = 512
_CB = _B // _W

_Q = 262144
_TA_W = 512
_TA_SUB = 4


_DOT = dict(precision=jax.lax.Precision.DEFAULT,
            preferred_element_type=jnp.float32)


def _unpack_table_tc(tbl_t, ident):
    def body(x0, x1, x2, x3, i_ref, o_ref):
        for s in range(_TA_SUB):
            sl = slice(_TA_W * s, _TA_W * (s + 1))
            xc = jnp.concatenate(
                [x0[:, sl], x1[:, sl], x2[:, sl], x3[:, sl]], axis=0)
            o_ref[sl, :] = jax.lax.dot_general(
                xc, i_ref[...], (((0,), (0,)), ((), ())), **_DOT)

    big = _TA_W * _TA_SUB
    last = _V // big
    xspec = [
        pl.BlockSpec(
            (_D, big),
            (lambda c, u=u: (0, jnp.minimum(c + u * (_Q // big), last))))
        for u in range(4)
    ]
    return pl.pallas_call(
        body,
        grid=(_Q // big,),
        in_specs=xspec + [pl.BlockSpec((128, 128), lambda c: (0, 0))],
        out_specs=pl.BlockSpec((big, 128), lambda c: (c, 0)),
        out_shape=jax.ShapeDtypeStruct((_Q, 128), jnp.float32),
    )(tbl_t, tbl_t, tbl_t, tbl_t, ident)


def _gather_sc(table_lin, idx):
    mesh = plsc.VectorSubcoreMesh(core_axis_name="c", subcore_axis_name="s")

    @pl.kernel(
        out_type=jax.ShapeDtypeStruct((_N, _D), jnp.float32),
        mesh=mesh,
        compiler_params=pltpu.CompilerParams(use_tc_tiling_on_sc=False),
    )
    def _embed(table_hbm, idx_hbm, out_hbm):
        def body(i_vmem, o_vmem):
            pltpu.sync_copy(table_hbm.at[i_vmem], o_vmem)

        pltpu.emit_pipeline(
            body,
            grid=(_N // _W,),
            in_specs=[pl.BlockSpec((_W,), index_map=lambda i: (i,))],
            out_specs=[pl.BlockSpec((_W, _D), index_map=lambda i: (i, 0))],
            core_axis_name=("c", "s"),
            dimension_semantics=(pltpu.PARALLEL,),
        )(idx_hbm, out_hbm)

    return _embed(table_lin, idx)


def _transpose_tc(g3, spread2, ident):
    def body(x_ref, s_ref, i_ref, o_ref):
        for c in range(_CB):
            x = x_ref[0, 128 * c:128 * (c + 1), :]
            xt = jax.lax.dot_general(
                i_ref[...], x, (((0,), (1,)), ((), ())), **_DOT)
            o = jnp.zeros((_D, _W), jnp.float32)
            for j in range(4):
                aj = xt[_D * j:_D * (j + 1), :]
                o = o + jax.lax.dot_general(
                    aj, s_ref[j], (((1,), (0,)), ((), ())), **_DOT)
            if c == 0:
                b_iota = lax.broadcasted_iota(jnp.int32, (_D, _W), 1)
                o = jnp.where(b_iota == 0, jnp.float32(0), o)
            o_ref[0, :, _W * c:_W * (c + 1)] = o

    return pl.pallas_call(
        body,
        grid=(_L,),
        in_specs=[
            pl.BlockSpec((1, _B // 4, 128), lambda l: (l, 0, 0)),
            pl.BlockSpec((4, 128, _W), lambda l: (0, 0, 0)),
            pl.BlockSpec((128, 128), lambda l: (0, 0)),
        ],
        out_specs=pl.BlockSpec((1, _D, _B), lambda l: (l, 0, 0)),
        out_shape=jax.ShapeDtypeStruct((_L, _D, _B), jnp.float32),
    )(g3, spread2, ident)


def _spread(n, m):
    i_ar = jnp.arange(n)[None, :, None]
    r_ar = jnp.arange(m)[None, None, :]
    j_ar = jnp.arange(4)[:, None, None]
    return (i_ar == 4 * r_ar + j_ar).astype(jnp.float32)


def kernel(y, table):
    yt = y.T.astype(jnp.int32)
    idx2 = jnp.pad(yt[:, :-1], ((0, 0), (1, 0)))
    idx2 = idx2.reshape(_N)
    idx2 = 4 * (idx2 % _Q) + idx2 // _Q

    ident = jnp.eye(128, dtype=jnp.float32)
    sp_b = _spread(_W, _W // 4).transpose(0, 2, 1)
    tbl_packed = _unpack_table_tc(table.T, ident)
    table_lin = tbl_packed.reshape(4 * _Q, _D)
    g2 = _gather_sc(table_lin, idx2)
    g3 = g2.reshape(_L, _B * _D // 128, 128)
    p = _transpose_tc(g3, sp_b, ident)
    return jnp.transpose(p, (2, 0, 1))

# --- scband reference (transcript-rebuilt; emitter-appended) ---
"""Pipeline reference for scband-my-tap-embedding-18554258719420 (READ-ONLY COPY).

The authoritative reference and input builder live on the scoring server;
editing this copy changes nothing except your own understanding.
"""

import jax, jax.numpy as jnp
import numpy as np

NUM_TARGET = 1000000
WORD_DIM = 32


def setup_inputs(seed: int = 0) -> dict:
    key = jax.random.key(seed)
    k1, k2 = jax.random.split(key)
    y = jax.random.randint(k1, (4096, 200), 0, NUM_TARGET, dtype=jnp.int64)
    table = jax.random.normal(k2, (NUM_TARGET, WORD_DIM), dtype=jnp.float32) * 0.02
    return {"y": y, "table": table}


def reference(y, table):
    # y.sum() >= 0 always holds for indices drawn from [0, NUM_TARGET),
    # so we take the embedding-lookup branch of the original forward.
    emb = jnp.take(table, y, axis=0)  # [B, L, D] -> ndim == 3 branch
    # shifted copy along the leading axis: emb_shifted[1:] = emb[:-1]
    emb_shifted = jnp.zeros_like(emb).at[1:].set(emb[:-1])
    return emb_shifted

if __name__ == "__main__":
    import jax
    _d = setup_inputs()
    print(jax.jit(kernel)(*tuple(_d.values())))

</pallas_src>

<mosaic_0001>
#map = affine_map<(d0, d1) -> (0, 0)>
#map1 = affine_map<(d0, d1) -> (0)>
module attributes {stable_mosaic.version = 14 : i64} {
  func.func @_embed(%arg0: i32, %arg1: i32, %arg2: memref<1048576x32xf32, #tpu.memory_space<hbm>>, %arg3: memref<819200xi32, #tpu.memory_space<hbm>>, %arg4: memref<819200x32xf32, #tpu.memory_space<hbm>>) attributes {dimension_semantics = [#tpu.dimension_semantics<core_parallel>, #tpu.dimension_semantics<subcore_parallel>], iteration_bounds = array<i64: 2, 16>, scalar_prefetch = 0 : i64, scratch_operands = 0 : i64, tpu.core_type = #tpu.core_type<sc_vector_subcore>, window_params = [{transform_indices = #map}, {transform_indices = #map1}, {transform_indices = #map}]} {
    %mul3A = arith.constant 1 : i32
    %mul3A_0 = arith.muli %arg1, %mul3A : i32
    %add3A = arith.constant 0 : i32
    %add3A_1 = arith.addi %add3A, %mul3A_0 : i32
    %mul3A_2 = arith.constant 16 : i32
    %mul3A_3 = arith.muli %arg0, %mul3A_2 : i32
    %add3A_4 = arith.addi %add3A_1, %mul3A_3 : i32
    %mul3A_5 = arith.constant 50 : i32
    %mul3A_6 = arith.muli %add3A_4, %mul3A_5 : i32
    "tpu.region"() ({
      %run_scoped3A = memref.alloca() : memref<1024xi32, #tpu.memory_space<vmem>>
      %run_scoped3A_7 = tpu.sem_alloc : memref<2x!tpu.dma_semaphore, #tpu.memory_space<semaphore_mem>>
      %run_scoped3A_8 = memref.alloca() : memref<2x512x32xf32, #tpu.memory_space<vmem>>
      %run_scoped3A_9 = tpu.sem_alloc : memref<2x!tpu.dma_semaphore, #tpu.memory_space<semaphore_mem>>
      %add3A_10 = arith.constant 0 : i32
      %add3A_11 = arith.addi %add3A_10, %mul3A_6 : i32
      %select_n3A = arith.constant true
      %select_n3A_12 = arith.constant 0 : i32
      %select_n3A_13 = arith.constant -1 : i32
      %select_n3A_14 = arith.select %select_n3A, %select_n3A_13, %select_n3A_12 : i32
      %eq3A = arith.constant -1 : i32
      %eq3A_15 = arith.cmpi eq, %select_n3A_14, %eq3A : i32
      %select_n3A_16 = arith.constant 49 : i32
      %select_n3A_17 = arith.select %eq3A_15, %select_n3A_16, %select_n3A_14 : i32
      %add3A_18 = arith.addi %select_n3A_17, %mul3A_6 : i32
      %select_n3A_19 = arith.constant true
      %select_n3A_20 = arith.constant 0 : i32
      %select_n3A_21 = arith.constant 1 : i32
      %select_n3A_22 = arith.select %select_n3A_19, %select_n3A_21, %select_n3A_20 : i32
      %eq3A_23 = arith.constant 50 : i32
      %eq3A_24 = arith.cmpi eq, %select_n3A_22, %eq3A_23 : i32
      %select_n3A_25 = arith.constant 0 : i32
      %select_n3A_26 = arith.select %eq3A_24, %select_n3A_25, %select_n3A_22 : i32
      %add3A_27 = arith.addi %select_n3A_26, %mul3A_6 : i32
      %add3A_28 = arith.constant 1 : i32
      %add3A_29 = arith.addi %select_n3A_26, %add3A_28 : i32
      %select_n3A_30 = arith.constant true
      %select_n3A_31 = arith.select %select_n3A_30, %add3A_29, %select_n3A_26 : i32
      %eq3A_32 = arith.constant 50 : i32
      %eq3A_33 = arith.cmpi eq, %select_n3A_31, %eq3A_32 : i32
      %select_n3A_34 = arith.constant 0 : i32
      %select_n3A_35 = arith.select %eq3A_33, %select_n3A_34, %select_n3A_31 : i32
      %add3A_36 = arith.addi %select_n3A_35, %mul3A_6 : i32
      "tpu.trace_start"() <{level = 10 : i32, message = "ep_initialize_0"}> : () -> ()
      %rem3A = arith.constant 0 : i32
      %rem3A_37 = arith.constant 2 : i32
      %rem3A_38 = arith.remui %rem3A, %rem3A_37 : i32
      %mul3A_39 = arith.constant 512 : i32
      %mul3A_40 = arith.muli %mul3A_39, %add3A_11 : i32
      %mul3A_41 = arith.constant 512 : i32
      %mul3A_42 = arith.muli %rem3A_38, %mul3A_41 : i32
      %add3A_43 = arith.constant 0 : i32
      %add3A_44 = arith.addi %mul3A_42, %add3A_43 : i32
      %dma_start3A = tpu.memref_slice %run_scoped3A[%add3A_44] : memref<1024xi32, #tpu.memory_space<vmem>> -> memref<512xi32, #tpu.memory_space<vmem>>
      %dma_start3A_45 = tpu.memref_slice %arg3[%mul3A_40] : memref<819200xi32, #tpu.memory_space<hbm>> -> memref<512xi32, #tpu.memory_space<hbm>>
      %dma_start3A_46 = tpu.memref_slice %run_scoped3A_7[%rem3A_38] : memref<2x!tpu.dma_semaphore, #tpu.memory_space<semaphore_mem>> -> memref<1x!tpu.dma_semaphore, #tpu.memory_space<semaphore_mem>>
      %dma_start3A_47 = tpu.memref_squeeze %dma_start3A_46 : memref<1x!tpu.dma_semaphore, #tpu.memory_space<semaphore_mem>> -> memref<!tpu.dma_semaphore, #tpu.memory_space<semaphore_mem>>
      %dma_start3A_48 = tpu.memref_slice %run_scoped3A[%add3A_44] : memref<1024xi32, #tpu.memory_space<vmem>> -> memref<512xi32, #tpu.memory_space<vmem>>
      %dma_start3A_49 = tpu.memref_slice %arg3[%mul3A_40] : memref<819200xi32, #tpu.memory_space<hbm>> -> memref<512xi32, #tpu.memory_space<hbm>>
      tpu.enqueue_dma source(%dma_start3A_49 : memref<512xi32, #tpu.memory_space<hbm>>) target(%dma_start3A_48 : memref<512xi32, #tpu.memory_space<vmem>>) target_semaphore(%dma_start3A_47 : memref<!tpu.dma_semaphore, #tpu.memory_space<semaphore_mem>>)
      %add3A_50 = arith.constant 0 : i32
      %add3A_51 = arith.constant 1 : i32
      %add3A_52 = arith.addi %add3A_50, %add3A_51 : i32
      %select_n3A_53 = arith.constant true
      %select_n3A_54 = arith.constant 0 : i32
      %select_n3A_55 = arith.select %select_n3A_53, %add3A_52, %select_n3A_54 : i32
      "tpu.trace_stop"() : () -> ()
      %scan3A = arith.constant 0 : i32
      %scan3A_56 = arith.constant 0 : i32
      %scan3A_57 = arith.constant 0 : i32
      %scan3A_58 = arith.constant 0 : i32
      %scan3A_59 = arith.constant 0 : i32
      %scan3A_60 = arith.constant 50 : i32
      %scan3A_61 = arith.addi %scan3A_59, %scan3A_60 : i32
      %scan3A_62 = arith.constant 1 : i32
      %scan3A_63:5 = scf.for %scan3A_117 = %scan3A_59 to %scan3A_61 step %scan3A_62 iter_args(%scan3A_118 = %select_n3A_55, %scan3A_119 = %scan3A, %scan3A_120 = %scan3A_56, %scan3A_121 = %scan3A_57, %scan3A_122 = %scan3A_58) -> (i32, i32, i32, i32, i32)  : i32 {
        %eq3A_123 = arith.constant 0 : i32
        %eq3A_124 = arith.cmpi eq, %scan3A_117, %eq3A_123 : i32
        %eq3A_125 = arith.constant 49 : i32
        %eq3A_126 = arith.cmpi eq, %scan3A_117, %eq3A_125 : i32
        %add3A_127 = arith.addi %scan3A_122, %mul3A_6 : i32
        %sub3A_128 = arith.constant 1 : i32
        %sub3A_129 = arith.subi %scan3A_122, %sub3A_128 : i32
        %select_n3A_130 = arith.constant true
        %select_n3A_131 = arith.select %select_n3A_130, %sub3A_129, %scan3A_122 : i32
        %eq3A_132 = arith.constant -1 : i32
        %eq3A_133 = arith.cmpi eq, %select_n3A_131, %eq3A_132 : i32
        %select_n3A_134 = arith.constant 49 : i32
        %select_n3A_135 = arith.select %eq3A_133, %select_n3A_134, %select_n3A_131 : i32
        %add3A_136 = arith.addi %select_n3A_135, %mul3A_6 : i32
        %add3A_137 = arith.constant 1 : i32
        %add3A_138 = arith.addi %scan3A_122, %add3A_137 : i32
        %select_n3A_139 = arith.constant true
        %select_n3A_140 = arith.select %select_n3A_139, %add3A_138, %scan3A_122 : i32
        %eq3A_141 = arith.constant 50 : i32
        %eq3A_142 = arith.cmpi eq, %select_n3A_140, %eq3A_141 : i32
        %select_n3A_143 = arith.constant 0 : i32
        %select_n3A_144 = arith.select %eq3A_142, %select_n3A_143, %select_n3A_140 : i32
        %add3A_145 = arith.addi %select_n3A_144, %mul3A_6 : i32
        %add3A_146 = arith.constant 1 : i32
        %add3A_147 = arith.addi %select_n3A_144, %add3A_146 : i32
        %select_n3A_148 = arith.constant true
        %select_n3A_149 = arith.select %select_n3A_148, %add3A_147, %select_n3A_144 : i32
        %eq3A_150 = arith.constant 50 : i32
        %eq3A_151 = arith.cmpi eq, %select_n3A_149, %eq3A_150 : i32
        %select_n3A_152 = arith.constant 0 : i32
        %select_n3A_153 = arith.select %eq3A_151, %select_n3A_152, %select_n3A_149 : i32
        %add3A_154 = arith.addi %select_n3A_153, %mul3A_6 : i32
        %ne3A = arith.cmpi ne, %add3A_127, %add3A_145 : i32
        %or3A = arith.constant false
        %or3A_155 = arith.ori %or3A, %ne3A : i1
        %ge3A = arith.constant 49 : i32
        %ge3A_156 = arith.cmpi sge, %scan3A_117, %ge3A : i32
        %not3A = arith.constant true
        %not3A_157 = arith.xori %ge3A_156, %not3A : i1
        %and3A = arith.andi %or3A_155, %not3A_157 : i1
        %convert_element_type3A = arith.extui %and3A : i1 to i32
        %cond3A = arith.constant 0 : i32
        %cond3A_158 = arith.cmpi ne, %convert_element_type3A, %cond3A : i32
        scf.if %cond3A_158 {
          "tpu.trace_start"() <{level = 10 : i32, message = "ep_copy_in"}> : () -> ()
          %rem3A_261 = arith.constant 2 : i32
          %rem3A_262 = arith.remui %scan3A_118, %rem3A_261 : i32
          %mul3A_263 = arith.constant 512 : i32
          %mul3A_264 = arith.muli %mul3A_263, %add3A_145 : i32
          %mul3A_265 = arith.constant 512 : i32
          %mul3A_266 = arith.muli %rem3A_262, %mul3A_265 : i32
          %add3A_267 = arith.constant 0 : i32
          %add3A_268 = arith.addi %mul3A_266, %add3A_267 : i32
          %dma_start3A_269 = tpu.memref_slice %run_scoped3A[%add3A_268] : memref<1024xi32, #tpu.memory_space<vmem>> -> memref<512xi32, #tpu.memory_space<vmem>>
          %dma_start3A_270 = tpu.memref_slice %arg3[%mul3A_264] : memref<819200xi32, #tpu.memory_space<hbm>> -> memref<512xi32, #tpu.memory_space<hbm>>
          %dma_start3A_271 = tpu.memref_slice %run_scoped3A_7[%rem3A_262] : memref<2x!tpu.dma_semaphore, #tpu.memory_space<semaphore_mem>> -> memref<1x!tpu.dma_semaphore, #tpu.memory_space<semaphore_mem>>
          %dma_start3A_272 = tpu.memref_squeeze %dma_start3A_271 : memref<1x!tpu.dma_semaphore, #tpu.memory_space<semaphore_mem>> -> memref<!tpu.dma_semaphore, #tpu.memory_space<semaphore_mem>>
          %dma_start3A_273 = tpu.memref_slice %run_scoped3A[%add3A_268] : memref<1024xi32, #tpu.memory_space<vmem>> -> memref<512xi32, #tpu.memory_space<vmem>>
          %dma_start3A_274 = tpu.memref_slice %arg3[%mul3A_264] : memref<819200xi32, #tpu.memory_space<hbm>> -> memref<512xi32, #tpu.memory_space<hbm>>
          tpu.enqueue_dma source(%dma_start3A_274 : memref<512xi32, #tpu.memory_space<hbm>>) target(%dma_start3A_273 : memref<512xi32, #tpu.memory_space<vmem>>) target_semaphore(%dma_start3A_272 : memref<!tpu.dma_semaphore, #tpu.memory_space<semaphore_mem>>)
          "tpu.trace_stop"() : () -> ()
        } else {
        }
        %and3A_159 = arith.constant true
        %and3A_160 = arith.andi %and3A, %and3A_159 : i1
        %add3A_161 = arith.constant 1 : i32
        %add3A_162 = arith.addi %scan3A_118, %add3A_161 : i32
        %select_n3A_163 = arith.select %and3A_160, %add3A_162, %scan3A_118 : i32
        %ne3A_164 = arith.cmpi ne, %add3A_127, %add3A_145 : i32
        %or3A_165 = arith.constant false
        %or3A_166 = arith.ori %or3A_165, %ne3A_164 : i1
        %or3A_167 = arith.constant false
        %or3A_168 = arith.ori %or3A_166, %or3A_167 : i1
        %ge3A_169 = arith.constant 49 : i32
        %ge3A_170 = arith.cmpi sge, %scan3A_117, %ge3A_169 : i32
        %not3A_171 = arith.constant true
        %not3A_172 = arith.xori %ge3A_170, %not3A_171 : i1
        %and3A_173 = arith.andi %or3A_168, %not3A_172 : i1
        %ne3A_174 = arith.cmpi ne, %add3A_127, %add3A_136 : i32
        %or3A_175 = arith.constant false
        %or3A_176 = arith.ori %or3A_175, %ne3A_174 : i1
        %or3A_177 = arith.ori %or3A_176, %eq3A_124 : i1
        %convert_element_type3A_178 = arith.extui %or3A_177 : i1 to i32
        %cond3A_179 = arith.constant 0 : i32
        %cond3A_180 = arith.cmpi ne, %convert_element_type3A_178, %cond3A_179 : i32
        scf.if %cond3A_180 {
          "tpu.trace_start"() <{level = 10 : i32, message = "ep_wait_in"}> : () -> ()
          %mul3A_261 = arith.constant 512 : i32
          %mul3A_262 = arith.muli %mul3A_261, %add3A_127 : i32
          %rem3A_263 = arith.constant 2 : i32
          %rem3A_264 = arith.remui %scan3A_119, %rem3A_263 : i32
          %mul3A_265 = arith.constant 512 : i32
          %mul3A_266 = arith.muli %rem3A_264, %mul3A_265 : i32
          %add3A_267 = arith.constant 0 : i32
          %add3A_268 = arith.addi %mul3A_266, %add3A_267 : i32
          %dma_wait3A_269 = tpu.memref_slice %run_scoped3A[%add3A_268] : memref<1024xi32, #tpu.memory_space<vmem>> -> memref<512xi32, #tpu.memory_space<vmem>>
          %dma_wait3A_270 = tpu.memref_slice %arg3[%mul3A_262] : memref<819200xi32, #tpu.memory_space<hbm>> -> memref<512xi32, #tpu.memory_space<hbm>>
          %dma_wait3A_271 = tpu.memref_slice %run_scoped3A_7[%rem3A_264] : memref<2x!tpu.dma_semaphore, #tpu.memory_space<semaphore_mem>> -> memref<1x!tpu.dma_semaphore, #tpu.memory_space<semaphore_mem>>
          %dma_wait3A_272 = tpu.memref_squeeze %dma_wait3A_271 : memref<1x!tpu.dma_semaphore, #tpu.memory_space<semaphore_mem>> -> memref<!tpu.dma_semaphore, #tpu.memory_space<semaphore_mem>>
          %dma_wait3A_273 = tpu.memref_slice %run_scoped3A[%add3A_268] : memref<1024xi32, #tpu.memory_space<vmem>> -> memref<512xi32, #tpu.memory_space<vmem>>
          %dma_wait3A_274 = tpu.memref_slice %arg3[%mul3A_262] : memref<819200xi32, #tpu.memory_space<hbm>> -> memref<512xi32, #tpu.memory_space<hbm>>
          tpu.wait_dma2 semaphore(%dma_wait3A_272 : memref<!tpu.dma_semaphore, #tpu.memory_space<semaphore_mem>>) src(%dma_wait3A_274 : memref<512xi32, #tpu.memory_space<hbm>>) dst(%dma_wait3A_273 : memref<512xi32, #tpu.memory_space<vmem>>)
          "tpu.trace_stop"() : () -> ()
        } else {
        }
        %ne3A_181 = arith.cmpi ne, %add3A_127, %add3A_136 : i32
        %or3A_182 = arith.constant false
        %or3A_183 = arith.ori %or3A_182, %ne3A_181 : i1
        %or3A_184 = arith.constant false
        %or3A_185 = arith.ori %or3A_183, %or3A_184 : i1
        %or3A_186 = arith.ori %or3A_185, %eq3A_124 : i1
        %convert_element_type3A_187 = arith.extui %or3A_186 : i1 to i32
        %cond3A_188 = arith.constant 0 : i32
        %cond3A_189 = arith.cmpi ne, %convert_element_type3A_187, %cond3A_188 : i32
        scf.if %cond3A_189 {
        } else {
        }
        %rem3A_190 = arith.constant 2 : i32
        %rem3A_191 = arith.remui %scan3A_119, %rem3A_190 : i32
        %mul3A_192 = arith.constant 512 : i32
        %mul3A_193 = arith.muli %rem3A_191, %mul3A_192 : i32
        %rem3A_194 = arith.constant 2 : i32
        %rem3A_195 = arith.remui %scan3A_120, %rem3A_194 : i32
        "tpu.trace_start"() <{level = 10 : i32, message = "ep_run_kernel"}> : () -> ()
        "tpu.region"() ({
          %run_scoped3A_261 = tpu.sem_alloc : memref<!tpu.dma_semaphore, #tpu.memory_space<semaphore_mem>>
          %dma_start3A_262 = arith.constant 0 : i32
          %dma_start3A_263 = arith.constant 0 : i32
          %dma_start3A_264 = tpu.memref_slice %run_scoped3A_8[%rem3A_195, %dma_start3A_262, %dma_start3A_263] : memref<2x512x32xf32, #tpu.memory_space<vmem>> -> memref<1x512x32xf32, #tpu.memory_space<vmem>>
          %dma_start3A_265 = tpu.memref_squeeze %dma_start3A_264 : memref<1x512x32xf32, #tpu.memory_space<vmem>> -> memref<512x32xf32, #tpu.memory_space<vmem>>
          %dma_start3A_266 = tpu.memref_slice %run_scoped3A[%mul3A_193] : memref<1024xi32, #tpu.memory_space<vmem>> -> memref<512xi32, #tpu.memory_space<vmem>>
          %dma_start3A_267 = arith.constant 0 : i32
          %dma_start3A_268 = arith.constant 0 : i32
          %dma_start3A_269 = tpu.memref_slice %arg2[%dma_start3A_267, %dma_start3A_268] : memref<1048576x32xf32, #tpu.memory_space<hbm>> -> memref<1048576x32xf32, #tpu.memory_space<hbm>>
          tpu.enqueue_indirect_dma source(%dma_start3A_269 : memref<1048576x32xf32, #tpu.memory_space<hbm>>) target(%dma_start3A_265 : memref<512x32xf32, #tpu.memory_space<vmem>>) offsets(%dma_start3A_266 : memref<512xi32, #tpu.memory_space<vmem>>) semaphore(%run_scoped3A_261 : memref<!tpu.dma_semaphore, #tpu.memory_space<semaphore_mem>>)
          %dma_wait3A_270 = arith.constant 0 : i32
          %dma_wait3A_271 = arith.constant 0 : i32
          %dma_wait3A_272 = tpu.memref_slice %run_scoped3A_8[%rem3A_195, %dma_wait3A_270, %dma_wait3A_271] : memref<2x512x32xf32, #tpu.memory_space<vmem>> -> memref<1x512x32xf32, #tpu.memory_space<vmem>>
          %dma_wait3A_273 = tpu.memref_squeeze %dma_wait3A_272 : memref<1x512x32xf32, #tpu.memory_space<vmem>> -> memref<512x32xf32, #tpu.memory_space<vmem>>
          %dma_wait3A_274 = tpu.memref_slice %run_scoped3A[%mul3A_193] : memref<1024xi32, #tpu.memory_space<vmem>> -> memref<512xi32, #tpu.memory_space<vmem>>
          %dma_wait3A_275 = arith.constant 0 : i32
          %dma_wait3A_276 = arith.constant 0 : i32
          %dma_wait3A_277 = tpu.memref_slice %arg2[%dma_wait3A_275, %dma_wait3A_276] : memref<1048576x32xf32, #tpu.memory_space<hbm>> -> memref<1048576x32xf32, #tpu.memory_space<hbm>>
          tpu.wait_indirect_dma semaphore(%run_scoped3A_261 : memref<!tpu.dma_semaphore, #tpu.memory_space<semaphore_mem>>) src(%dma_wait3A_277 : memref<1048576x32xf32, #tpu.memory_space<hbm>>) dst(%dma_wait3A_273 : memref<512x32xf32, #tpu.memory_space<vmem>>)
          tpu.yield
        }) : () -> ()
        "tpu.trace_stop"() : () -> ()
        %ne3A_196 = arith.cmpi ne, %add3A_127, %add3A_145 : i32
        %or3A_197 = arith.constant false
        %or3A_198 = arith.ori %or3A_197, %ne3A_196 : i1
        %or3A_199 = arith.ori %or3A_198, %eq3A_126 : i1
        %convert_element_type3A_200 = arith.extui %or3A_199 : i1 to i32
        %cond3A_201 = arith.constant 0 : i32
        %cond3A_202 = arith.cmpi ne, %convert_element_type3A_200, %cond3A_201 : i32
        scf.if %cond3A_202 {
        } else {
        }
        %and3A_203 = arith.constant false
        %and3A_204 = arith.andi %or3A_199, %and3A_203 : i1
        %ne3A_205 = arith.cmpi ne, %add3A_127, %add3A_145 : i32
        %or3A_206 = arith.constant false
        %or3A_207 = arith.ori %or3A_206, %ne3A_205 : i1
        %or3A_208 = arith.constant false
        %or3A_209 = arith.ori %or3A_207, %or3A_208 : i1
        %or3A_210 = arith.ori %or3A_209, %eq3A_126 : i1
        %convert_element_type3A_211 = arith.extui %or3A_210 : i1 to i32
        %cond3A_212 = arith.constant 0 : i32
        %cond3A_213 = arith.cmpi ne, %convert_element_type3A_211, %cond3A_212 : i32
        scf.if %cond3A_213 {
          "tpu.trace_start"() <{level = 10 : i32, message = "ep_copy_out"}> : () -> ()
          %rem3A_261 = arith.constant 2 : i32
          %rem3A_262 = arith.remui %scan3A_120, %rem3A_261 : i32
          %mul3A_263 = arith.constant 512 : i32
          %mul3A_264 = arith.muli %mul3A_263, %add3A_127 : i32
          %dma_start3A_265 = arith.constant 0 : i32
          %dma_start3A_266 = arith.constant 0 : i32
          %dma_start3A_267 = tpu.memref_slice %run_scoped3A_8[%rem3A_262, %dma_start3A_265, %dma_start3A_266] : memref<2x512x32xf32, #tpu.memory_space<vmem>> -> memref<1x512x32xf32, #tpu.memory_space<vmem>>
          %dma_start3A_268 = tpu.memref_squeeze %dma_start3A_267 : memref<1x512x32xf32, #tpu.memory_space<vmem>> -> memref<512x32xf32, #tpu.memory_space<vmem>>
          %dma_start3A_269 = arith.constant 0 : i32
          %dma_start3A_270 = tpu.memref_slice %arg4[%mul3A_264, %dma_start3A_269] : memref<819200x32xf32, #tpu.memory_space<hbm>> -> memref<512x32xf32, #tpu.memory_space<hbm>>
          %dma_start3A_271 = tpu.memref_slice %run_scoped3A_9[%rem3A_262] : memref<2x!tpu.dma_semaphore, #tpu.memory_space<semaphore_mem>> -> memref<1x!tpu.dma_semaphore, #tpu.memory_space<semaphore_mem>>
          %dma_start3A_272 = tpu.memref_squeeze %dma_start3A_271 : memref<1x!tpu.dma_semaphore, #tpu.memory_space<semaphore_mem>> -> memref<!tpu.dma_semaphore, #tpu.memory_space<semaphore_mem>>
          %dma_start3A_273 = arith.constant 0 : i32
          %dma_start3A_274 = tpu.memref_slice %arg4[%mul3A_264, %dma_start3A_273] : memref<819200x32xf32, #tpu.memory_space<hbm>> -> memref<512x32xf32, #tpu.memory_space<hbm>>
          %dma_start3A_275 = arith.constant 0 : i32
          %dma_start3A_276 = arith.constant 0 : i32
          %dma_start3A_277 = tpu.memref_slice %run_scoped3A_8[%rem3A_262, %dma_start3A_275, %dma_start3A_276] : memref<2x512x32xf32, #tpu.memory_space<vmem>> -> memref<1x512x32xf32, #tpu.memory_space<vmem>>
          %dma_start3A_278 = tpu.memref_squeeze %dma_start3A_277 : memref<1x512x32xf32, #tpu.memory_space<vmem>> -> memref<512x32xf32, #tpu.memory_space<vmem>>
          tpu.enqueue_dma source(%dma_start3A_278 : memref<512x32xf32, #tpu.memory_space<vmem>>) target(%dma_start3A_274 : memref<512x32xf32, #tpu.memory_space<hbm>>) target_semaphore(%dma_start3A_272 : memref<!tpu.dma_semaphore, #tpu.memory_space<semaphore_mem>>)
          "tpu.trace_stop"() : () -> ()
        } else {
        }
        %and3A_214 = arith.constant true
        %and3A_215 = arith.andi %or3A_210, %and3A_214 : i1
        %add3A_216 = arith.constant 1 : i32
        %add3A_217 = arith.addi %scan3A_120, %add3A_216 : i32
        %select_n3A_218 = arith.select %and3A_215, %add3A_217, %scan3A_120 : i32
        %ne3A_219 = arith.cmpi ne, %add3A_127, %add3A_136 : i32
        %or3A_220 = arith.constant false
        %or3A_221 = arith.ori %or3A_220, %ne3A_219 : i1
        %not3A_222 = arith.constant true
        %not3A_223 = arith.xori %eq3A_124, %not3A_222 : i1
        %and3A_224 = arith.andi %or3A_221, %not3A_223 : i1
        %convert_element_type3A_225 = arith.extui %and3A_224 : i1 to i32
        %cond3A_226 = arith.constant 0 : i32
        %cond3A_227 = arith.cmpi ne, %convert_element_type3A_225, %cond3A_226 : i32
        scf.if %cond3A_227 {
        } else {
        }
        %and3A_228 = arith.constant false
        %and3A_229 = arith.andi %and3A_224, %and3A_228 : i1
        %ne3A_230 = arith.cmpi ne, %add3A_127, %add3A_136 : i32
        %or3A_231 = arith.constant false
        %or3A_232 = arith.ori %or3A_231, %ne3A_230 : i1
        %or3A_233 = arith.constant false
        %or3A_234 = arith.ori %or3A_232, %or3A_233 : i1
        %not3A_235 = arith.constant true
        %not3A_236 = arith.xori %eq3A_124, %not3A_235 : i1
        %and3A_237 = arith.andi %or3A_234, %not3A_236 : i1
        %convert_element_type3A_238 = arith.extui %and3A_237 : i1 to i32
        %cond3A_239 = arith.constant 0 : i32
        %cond3A_240 = arith.cmpi ne, %convert_element_type3A_238, %cond3A_239 : i32
        scf.if %cond3A_240 {
          "tpu.trace_start"() <{level = 10 : i32, message = "ep_wait_out"}> : () -> ()
          %rem3A_261 = arith.constant 2 : i32
          %rem3A_262 = arith.remui %scan3A_121, %rem3A_261 : i32
          %mul3A_263 = arith.constant 512 : i32
          %mul3A_264 = arith.muli %mul3A_263, %add3A_136 : i32
          %dma_wait3A_265 = arith.constant 0 : i32
          %dma_wait3A_266 = arith.constant 0 : i32
          %dma_wait3A_267 = tpu.memref_slice %run_scoped3A_8[%rem3A_262, %dma_wait3A_265, %dma_wait3A_266] : memref<2x512x32xf32, #tpu.memory_space<vmem>> -> memref<1x512x32xf32, #tpu.memory_space<vmem>>
          %dma_wait3A_268 = tpu.memref_squeeze %dma_wait3A_267 : memref<1x512x32xf32, #tpu.memory_space<vmem>> -> memref<512x32xf32, #tpu.memory_space<vmem>>
          %dma_wait3A_269 = arith.constant 0 : i32
          %dma_wait3A_270 = tpu.memref_slice %arg4[%mul3A_264, %dma_wait3A_269] : memref<819200x32xf32, #tpu.memory_space<hbm>> -> memref<512x32xf32, #tpu.memory_space<hbm>>
          %dma_wait3A_271 = tpu.memref_slice %run_scoped3A_9[%rem3A_262] : memref<2x!tpu.dma_semaphore, #tpu.memory_space<semaphore_mem>> -> memref<1x!tpu.dma_semaphore, #tpu.memory_space<semaphore_mem>>
          %dma_wait3A_272 = tpu.memref_squeeze %dma_wait3A_271 : memref<1x!tpu.dma_semaphore, #tpu.memory_space<semaphore_mem>> -> memref<!tpu.dma_semaphore, #tpu.memory_space<semaphore_mem>>
          %dma_wait3A_273 = arith.constant 0 : i32
          %dma_wait3A_274 = tpu.memref_slice %arg4[%mul3A_264, %dma_wait3A_273] : memref<819200x32xf32, #tpu.memory_space<hbm>> -> memref<512x32xf32, #tpu.memory_space<hbm>>
          %dma_wait3A_275 = arith.constant 0 : i32
          %dma_wait3A_276 = arith.constant 0 : i32
          %dma_wait3A_277 = tpu.memref_slice %run_scoped3A_8[%rem3A_262, %dma_wait3A_275, %dma_wait3A_276] : memref<2x512x32xf32, #tpu.memory_space<vmem>> -> memref<1x512x32xf32, #tpu.memory_space<vmem>>
          %dma_wait3A_278 = tpu.memref_squeeze %dma_wait3A_277 : memref<1x512x32xf32, #tpu.memory_space<vmem>> -> memref<512x32xf32, #tpu.memory_space<vmem>>
          tpu.wait_dma2 semaphore(%dma_wait3A_272 : memref<!tpu.dma_semaphore, #tpu.memory_space<semaphore_mem>>) src(%dma_wait3A_278 : memref<512x32xf32, #tpu.memory_space<vmem>>) dst(%dma_wait3A_274 : memref<512x32xf32, #tpu.memory_space<hbm>>)
          "tpu.trace_stop"() : () -> ()
        } else {
        }
        %and3A_241 = arith.constant true
        %and3A_242 = arith.andi %and3A_237, %and3A_241 : i1
        %add3A_243 = arith.constant 1 : i32
        %add3A_244 = arith.addi %scan3A_121, %add3A_243 : i32
        %select_n3A_245 = arith.select %and3A_242, %add3A_244, %scan3A_121 : i32
        %ne3A_246 = arith.cmpi ne, %add3A_127, %add3A_145 : i32
        %or3A_247 = arith.constant false
        %or3A_248 = arith.ori %or3A_247, %ne3A_246 : i1
        %or3A_249 = arith.ori %or3A_248, %eq3A_126 : i1
        %add3A_250 = arith.constant 1 : i32
        %add3A_251 = arith.addi %scan3A_119, %add3A_250 : i32
        %select_n3A_252 = arith.select %or3A_249, %add3A_251, %scan3A_119 : i32
        %add3A_253 = arith.constant 1 : i32
        %add3A_254 = arith.addi %scan3A_122, %add3A_253 : i32
        %select_n3A_255 = arith.constant true
        %select_n3A_256 = arith.select %select_n3A_255, %add3A_254, %scan3A_122 : i32
        %eq3A_257 = arith.constant 50 : i32
        %eq3A_258 = arith.cmpi eq, %select_n3A_256, %eq3A_257 : i32
        %select_n3A_259 = arith.constant 0 : i32
        %select_n3A_260 = arith.select %eq3A_258, %select_n3A_259, %select_n3A_256 : i32
        scf.yield %select_n3A_163, %select_n3A_252, %select_n3A_218, %select_n3A_245, %select_n3A_260 : i32, i32, i32, i32, i32
      }
      %scan3A_64 = arith.constant 50 : i32
      %sub3A = arith.constant 1 : i32
      %sub3A_65 = arith.subi %scan3A_63#4, %sub3A : i32
      %select_n3A_66 = arith.constant true
      %select_n3A_67 = arith.select %select_n3A_66, %sub3A_65, %scan3A_63#4 : i32
      %eq3A_68 = arith.constant -1 : i32
      %eq3A_69 = arith.cmpi eq, %select_n3A_67, %eq3A_68 : i32
      %select_n3A_70 = arith.constant 49 : i32
      %select_n3A_71 = arith.select %eq3A_69, %select_n3A_70, %select_n3A_67 : i32
      %add3A_72 = arith.addi %select_n3A_71, %mul3A_6 : i32
      %sub3A_73 = arith.constant 1 : i32
      %sub3A_74 = arith.subi %select_n3A_71, %sub3A_73 : i32
      %select_n3A_75 = arith.constant true
      %select_n3A_76 = arith.select %select_n3A_75, %sub3A_74, %select_n3A_71 : i32
      %eq3A_77 = arith.constant -1 : i32
      %eq3A_78 = arith.cmpi eq, %select_n3A_76, %eq3A_77 : i32
      %select_n3A_79 = arith.constant 49 : i32
      %select_n3A_80 = arith.select %eq3A_78, %select_n3A_79, %select_n3A_76 : i32
      %add3A_81 = arith.addi %select_n3A_80, %mul3A_6 : i32
      %add3A_82 = arith.constant 1 : i32
      %add3A_83 = arith.addi %select_n3A_71, %add3A_82 : i32
      %select_n3A_84 = arith.constant true
      %select_n3A_85 = arith.select %select_n3A_84, %add3A_83, %select_n3A_71 : i32
      %eq3A_86 = arith.constant 50 : i32
      %eq3A_87 = arith.cmpi eq, %select_n3A_85, %eq3A_86 : i32
      %select_n3A_88 = arith.constant 0 : i32
      %select_n3A_89 = arith.select %eq3A_87, %select_n3A_88, %select_n3A_85 : i32
      %add3A_90 = arith.addi %select_n3A_89, %mul3A_6 : i32
      %add3A_91 = arith.constant 1 : i32
      %add3A_92 = arith.addi %select_n3A_89, %add3A_91 : i32
      %select_n3A_93 = arith.constant true
      %select_n3A_94 = arith.select %select_n3A_93, %add3A_92, %select_n3A_89 : i32
      %eq3A_95 = arith.constant 50 : i32
      %eq3A_96 = arith.cmpi eq, %select_n3A_94, %eq3A_95 : i32
      %select_n3A_97 = arith.constant 0 : i32
      %select_n3A_98 = arith.select %eq3A_96, %select_n3A_97, %select_n3A_94 : i32
      %add3A_99 = arith.addi %select_n3A_98, %mul3A_6 : i32
      "tpu.trace_start"() <{level = 10 : i32, message = "ep_finalize"}> : () -> ()
      %rem3A_100 = arith.constant 2 : i32
      %rem3A_101 = arith.remui %scan3A_63#3, %rem3A_100 : i32
      %mul3A_102 = arith.constant 512 : i32
      %mul3A_103 = arith.muli %mul3A_102, %add3A_72 : i32
      %dma_wait3A = arith.constant 0 : i32
      %dma_wait3A_104 = arith.constant 0 : i32
      %dma_wait3A_105 = tpu.memref_slice %run_scoped3A_8[%rem3A_101, %dma_wait3A, %dma_wait3A_104] : memref<2x512x32xf32, #tpu.memory_space<vmem>> -> memref<1x512x32xf32, #tpu.memory_space<vmem>>
      %dma_wait3A_106 = tpu.memref_squeeze %dma_wait3A_105 : memref<1x512x32xf32, #tpu.memory_space<vmem>> -> memref<512x32xf32, #tpu.memory_space<vmem>>
      %dma_wait3A_107 = arith.constant 0 : i32
      %dma_wait3A_108 = tpu.memref_slice %arg4[%mul3A_103, %dma_wait3A_107] : memref<819200x32xf32, #tpu.memory_space<hbm>> -> memref<512x32xf32, #tpu.memory_space<hbm>>
      %dma_wait3A_109 = tpu.memref_slice %run_scoped3A_9[%rem3A_101] : memref<2x!tpu.dma_semaphore, #tpu.memory_space<semaphore_mem>> -> memref<1x!tpu.dma_semaphore, #tpu.memory_space<semaphore_mem>>
      %dma_wait3A_110 = tpu.memref_squeeze %dma_wait3A_109 : memref<1x!tpu.dma_semaphore, #tpu.memory_space<semaphore_mem>> -> memref<!tpu.dma_semaphore, #tpu.memory_space<semaphore_mem>>
      %dma_wait3A_111 = arith.constant 0 : i32
      %dma_wait3A_112 = tpu.memref_slice %arg4[%mul3A_103, %dma_wait3A_111] : memref<819200x32xf32, #tpu.memory_space<hbm>> -> memref<512x32xf32, #tpu.memory_space<hbm>>
      %dma_wait3A_113 = arith.constant 0 : i32
      %dma_wait3A_114 = arith.constant 0 : i32
      %dma_wait3A_115 = tpu.memref_slice %run_scoped3A_8[%rem3A_101, %dma_wait3A_113, %dma_wait3A_114] : memref<2x512x32xf32, #tpu.memory_space<vmem>> -> memref<1x512x32xf32, #tpu.memory_space<vmem>>
      %dma_wait3A_116 = tpu.memref_squeeze %dma_wait3A_115 : memref<1x512x32xf32, #tpu.memory_space<vmem>> -> memref<512x32xf32, #tpu.memory_space<vmem>>
      tpu.wait_dma2 semaphore(%dma_wait3A_110 : memref<!tpu.dma_semaphore, #tpu.memory_space<semaphore_mem>>) src(%dma_wait3A_116 : memref<512x32xf32, #tpu.memory_space<vmem>>) dst(%dma_wait3A_112 : memref<512x32xf32, #tpu.memory_space<hbm>>)
      "tpu.trace_stop"() : () -> ()
      tpu.yield
    }) : () -> ()
    return
  }
}

module attributes {stable_mosaic.version = 14 : i64} {
  func.func @body(%arg0: i32, %arg1: memref<32x2048xf32, #tpu.memory_space<vmem>>, %arg2: memref<32x2048xf32, #tpu.memory_space<vmem>>, %arg3: memref<32x2048xf32, #tpu.memory_space<vmem>>, %arg4: memref<32x2048xf32, #tpu.memory_space<vmem>>, %arg5: memref<128x128xf32, #tpu.memory_space<vmem>>, %arg6: memref<2048x128xf32, #tpu.memory_space<vmem>>) attributes {dimension_semantics = [#tpu.dimension_semantics<arbitrary>], iteration_bounds = array<i64: 128>, scalar_prefetch = 0 : i64, scratch_operands = 0 : i64, tpu.core_type = #tpu.core_type<tc>, window_params = [{transform_indices = @transform_0, window_bounds = array<i64: 32, 2048>}, {transform_indices = @transform_1, window_bounds = array<i64: 32, 2048>}, {transform_indices = @transform_2, window_bounds = array<i64: 32, 2048>}, {transform_indices = @transform_3, window_bounds = array<i64: 32, 2048>}, {pipeline_mode = #tpu.pipeline_mode<synchronous>, transform_indices = @transform_4, window_bounds = array<i64: 128, 128>}, {transform_indices = @transform_5, window_bounds = array<i64: 2048, 128>}]} {
    %get3A = arith.constant 0 : index
    %get3A_0 = arith.constant 0 : index
    %get3A_1 = vector.load %arg1[%get3A, %get3A_0] : memref<32x2048xf32, #tpu.memory_space<vmem>>, vector<32x512xf32>
    %get3A_2 = arith.constant 0 : index
    %get3A_3 = arith.constant 0 : index
    %get3A_4 = vector.load %arg2[%get3A_2, %get3A_3] : memref<32x2048xf32, #tpu.memory_space<vmem>>, vector<32x512xf32>
    %get3A_5 = arith.constant 0 : index
    %get3A_6 = arith.constant 0 : index
    %get3A_7 = vector.load %arg3[%get3A_5, %get3A_6] : memref<32x2048xf32, #tpu.memory_space<vmem>>, vector<32x512xf32>
    %get3A_8 = arith.constant 0 : index
    %get3A_9 = arith.constant 0 : index
    %get3A_10 = vector.load %arg4[%get3A_8, %get3A_9] : memref<32x2048xf32, #tpu.memory_space<vmem>>, vector<32x512xf32>
    %concatenate3A = tpu.concatenate %get3A_1, %get3A_4, %get3A_7, %get3A_10 in 0 : vector<32x512xf32>, vector<32x512xf32>, vector<32x512xf32>, vector<32x512xf32> -> vector<128x512xf32>
    %get3A_11 = arith.constant 0 : index
    %get3A_12 = arith.constant 0 : index
    %get3A_13 = vector.load %arg5[%get3A_11, %get3A_12] : memref<128x128xf32, #tpu.memory_space<vmem>>, vector<128x128xf32>
    %dot_general3A = arith.constant dense<0.000000e+00> : vector<512x128xf32>
    %dot_general3A_14 = tpu.matmul %concatenate3A, %get3A_13, %dot_general3A {dimension_numbers = #tpu.dot_dimension_numbers<[0], [0], [1], [1], [0, 1, 1, 1], [], []>, transpose_lhs_hint = false} : vector<128x512xf32>, vector<128x128xf32>, vector<512x128xf32> -> vector<512x128xf32>
    %swap3A = arith.constant 0 : index
    %swap3A_15 = arith.constant 0 : index
    %swap3A_16 = vector.load %arg6[%swap3A, %swap3A_15] : memref<2048x128xf32, #tpu.memory_space<vmem>>, vector<512x128xf32>
    tpu.vector_store %arg6[%swap3A, %swap3A_15], %dot_general3A_14 {strides = array<i32>} : memref<2048x128xf32, #tpu.memory_space<vmem>>, vector<512x128xf32>,
    %get3A_17 = arith.constant 0 : index
    %get3A_18 = arith.constant 512 : index
    %get3A_19 = vector.load %arg1[%get3A_17, %get3A_18] : memref<32x2048xf32, #tpu.memory_space<vmem>>, vector<32x512xf32>
    %get3A_20 = arith.constant 0 : index
    %get3A_21 = arith.constant 512 : index
    %get3A_22 = vector.load %arg2[%get3A_20, %get3A_21] : memref<32x2048xf32, #tpu.memory_space<vmem>>, vector<32x512xf32>
    %get3A_23 = arith.constant 0 : index
    %get3A_24 = arith.constant 512 : index
    %get3A_25 = vector.load %arg3[%get3A_23, %get3A_24] : memref<32x2048xf32, #tpu.memory_space<vmem>>, vector<32x512xf32>
    %get3A_26 = arith.constant 0 : index
    %get3A_27 = arith.constant 512 : index
    %get3A_28 = vector.load %arg4[%get3A_26, %get3A_27] : memref<32x2048xf32, #tpu.memory_space<vmem>>, vector<32x512xf32>
    %concatenate3A_29 = tpu.concatenate %get3A_19, %get3A_22, %get3A_25, %get3A_28 in 0 : vector<32x512xf32>, vector<32x512xf32>, vector<32x512xf32>, vector<32x512xf32> -> vector<128x512xf32>
    %get3A_30 = arith.constant 0 : index
    %get3A_31 = arith.constant 0 : index
    %get3A_32 = vector.load %arg5[%get3A_30, %get3A_31] : memref<128x128xf32, #tpu.memory_space<vmem>>, vector<128x128xf32>
    %dot_general3A_33 = arith.constant dense<0.000000e+00> : vector<512x128xf32>
    %dot_general3A_34 = tpu.matmul %concatenate3A_29, %get3A_32, %dot_general3A_33 {dimension_numbers = #tpu.dot_dimension_numbers<[0], [0], [1], [1], [0, 1, 1, 1], [], []>, transpose_lhs_hint = false} : vector<128x512xf32>, vector<128x128xf32>, vector<512x128xf32> -> vector<512x128xf32>
    %swap3A_35 = arith.constant 512 : index
    %swap3A_36 = arith.constant 0 : index
    %swap3A_37 = vector.load %arg6[%swap3A_35, %swap3A_36] : memref<2048x128xf32, #tpu.memory_space<vmem>>, vector<512x128xf32>
    tpu.vector_store %arg6[%swap3A_35, %swap3A_36], %dot_general3A_34 {strides = array<i32>} : memref<2048x128xf32, #tpu.memory_space<vmem>>, vector<512x128xf32>,
    %get3A_38 = arith.constant 0 : index
    %get3A_39 = arith.constant 1024 : index
    %get3A_40 = vector.load %arg1[%get3A_38, %get3A_39] : memref<32x2048xf32, #tpu.memory_space<vmem>>, vector<32x512xf32>
    %get3A_41 = arith.constant 0 : index
    %get3A_42 = arith.constant 1024 : index
    %get3A_43 = vector.load %arg2[%get3A_41, %get3A_42] : memref<32x2048xf32, #tpu.memory_space<vmem>>, vector<32x512xf32>
    %get3A_44 = arith.constant 0 : index
    %get3A_45 = arith.constant 1024 : index
    %get3A_46 = vector.load %arg3[%get3A_44, %get3A_45] : memref<32x2048xf32, #tpu.memory_space<vmem>>, vector<32x512xf32>
    %get3A_47 = arith.constant 0 : index
    %get3A_48 = arith.constant 1024 : index
    %get3A_49 = vector.load %arg4[%get3A_47, %get3A_48] : memref<32x2048xf32, #tpu.memory_space<vmem>>, vector<32x512xf32>
    %concatenate3A_50 = tpu.concatenate %get3A_40, %get3A_43, %get3A_46, %get3A_49 in 0 : vector<32x512xf32>, vector<32x512xf32>, vector<32x512xf32>, vector<32x512xf32> -> vector<128x512xf32>
    %get3A_51 = arith.constant 0 : index
    %get3A_52 = arith.constant 0 : index
    %get3A_53 = vector.load %arg5[%get3A_51, %get3A_52] : memref<128x128xf32, #tpu.memory_space<vmem>>, vector<128x128xf32>
    %dot_general3A_54 = arith.constant dense<0.000000e+00> : vector<512x128xf32>
    %dot_general3A_55 = tpu.matmul %concatenate3A_50, %get3A_53, %dot_general3A_54 {dimension_numbers = #tpu.dot_dimension_numbers<[0], [0], [1], [1], [0, 1, 1, 1], [], []>, transpose_lhs_hint = false} : vector<128x512xf32>, vector<128x128xf32>, vector<512x128xf32> -> vector<512x128xf32>
    %swap3A_56 = arith.constant 1024 : index
    %swap3A_57 = arith.constant 0 : index
    %swap3A_58 = vector.load %arg6[%swap3A_56, %swap3A_57] : memref<2048x128xf32, #tpu.memory_space<vmem>>, vector<512x128xf32>
    tpu.vector_store %arg6[%swap3A_56, %swap3A_57], %dot_general3A_55 {strides = array<i32>} : memref<2048x128xf32, #tpu.memory_space<vmem>>, vector<512x128xf32>,
    %get3A_59 = arith.constant 0 : index
    %get3A_60 = arith.constant 1536 : index
    %get3A_61 = vector.load %arg1[%get3A_59, %get3A_60] : memref<32x2048xf32, #tpu.memory_space<vmem>>, vector<32x512xf32>
    %get3A_62 = arith.constant 0 : index
    %get3A_63 = arith.constant 1536 : index
    %get3A_64 = vector.load %arg2[%get3A_62, %get3A_63] : memref<32x2048xf32, #tpu.memory_space<vmem>>, vector<32x512xf32>
    %get3A_65 = arith.constant 0 : index
    %get3A_66 = arith.constant 1536 : index
    %get3A_67 = vector.load %arg3[%get3A_65, %get3A_66] : memref<32x2048xf32, #tpu.memory_space<vmem>>, vector<32x512xf32>
    %get3A_68 = arith.constant 0 : index
    %get3A_69 = arith.constant 1536 : index
    %get3A_70 = vector.load %arg4[%get3A_68, %get3A_69] : memref<32x2048xf32, #tpu.memory_space<vmem>>, vector<32x512xf32>
    %concatenate3A_71 = tpu.concatenate %get3A_61, %get3A_64, %get3A_67, %get3A_70 in 0 : vector<32x512xf32>, vector<32x512xf32>, vector<32x512xf32>, vector<32x512xf32> -> vector<128x512xf32>
    %get3A_72 = arith.constant 0 : index
    %get3A_73 = arith.constant 0 : index
    %get3A_74 = vector.load %arg5[%get3A_72, %get3A_73] : memref<128x128xf32, #tpu.memory_space<vmem>>, vector<128x128xf32>
    %dot_general3A_75 = arith.constant dense<0.000000e+00> : vector<512x128xf32>
    %dot_general3A_76 = tpu.matmul %concatenate3A_71, %get3A_74, %dot_general3A_75 {dimension_numbers = #tpu.dot_dimension_numbers<[0], [0], [1], [1], [0, 1, 1, 1], [], []>, transpose_lhs_hint = false} : vector<128x512xf32>, vector<128x128xf32>, vector<512x128xf32> -> vector<512x128xf32>
    %swap3A_77 = arith.constant 1536 : index
    %swap3A_78 = arith.constant 0 : index
    %swap3A_79 = vector.load %arg6[%swap3A_77, %swap3A_78] : memref<2048x128xf32, #tpu.memory_space<vmem>>, vector<512x128xf32>
    tpu.vector_store %arg6[%swap3A_77, %swap3A_78], %dot_general3A_76 {strides = array<i32>} : memref<2048x128xf32, #tpu.memory_space<vmem>>, vector<512x128xf32>,
    return
  }
  func.func @transform_0(%arg0: i32) -> (i32, i32) {
    %add3A = arith.constant 0 : i32
    %add3A_0 = arith.addi %arg0, %add3A : i32
    %min3A = arith.constant 488 : i32
    %min3A_1 = arith.minsi %add3A_0, %min3A : i32
    %c0_i32 = arith.constant 0 : i32
    %c0_i32_2 = arith.constant 0 : i32
    return %c0_i32, %min3A_1 : i32, i32
  }
  func.func @transform_1(%arg0: i32) -> (i32, i32) {
    %add3A = arith.constant 128 : i32
    %add3A_0 = arith.addi %arg0, %add3A : i32
    %min3A = arith.constant 488 : i32
    %min3A_1 = arith.minsi %add3A_0, %min3A : i32
    %c0_i32 = arith.constant 0 : i32
    %c0_i32_2 = arith.constant 0 : i32
    return %c0_i32, %min3A_1 : i32, i32
  }
  func.func @transform_2(%arg0: i32) -> (i32, i32) {
    %add3A = arith.constant 256 : i32
    %add3A_0 = arith.addi %arg0, %add3A : i32
    %min3A = arith.constant 488 : i32
    %min3A_1 = arith.minsi %add3A_0, %min3A : i32
    %c0_i32 = arith.constant 0 : i32
    %c0_i32_2 = arith.constant 0 : i32
    return %c0_i32, %min3A_1 : i32, i32
  }
  func.func @transform_3(%arg0: i32) -> (i32, i32) {
    %add3A = arith.constant 384 : i32
    %add3A_0 = arith.addi %arg0, %add3A : i32
    %min3A = arith.constant 488 : i32
    %min3A_1 = arith.minsi %add3A_0, %min3A : i32
    %c0_i32 = arith.constant 0 : i32
    %c0_i32_2 = arith.constant 0 : i32
    return %c0_i32, %min3A_1 : i32, i32
  }
  func.func @transform_4(%arg0: i32) -> (i32, i32) {
    %c0_i32 = arith.constant 0 : i32
    %c0_i32_0 = arith.constant 0 : i32
    %c0_i32_1 = arith.constant 0 : i32
    return %c0_i32, %c0_i32_0 : i32, i32
  }
  func.func @transform_5(%arg0: i32) -> (i32, i32) {
    %c0_i32 = arith.constant 0 : i32
    %c0_i32_0 = arith.constant 0 : i32
    return %arg0, %c0_i32 : i32, i32
  }
}

module attributes {stable_mosaic.version = 14 : i64} {
  func.func @body(%arg0: i32, %arg1: memref<1x1024x128xf32, #tpu.memory_space<vmem>>, %arg2: memref<4x128x512xf32, #tpu.memory_space<vmem>>, %arg3: memref<128x128xf32, #tpu.memory_space<vmem>>, %arg4: memref<1x32x4096xf32, #tpu.memory_space<vmem>>) attributes {dimension_semantics = [#tpu.dimension_semantics<arbitrary>], iteration_bounds = array<i64: 200>, scalar_prefetch = 0 : i64, scratch_operands = 0 : i64, tpu.core_type = #tpu.core_type<tc>, window_params = [{transform_indices = @transform_0, window_bounds = array<i64: 1, 1024, 128>}, {pipeline_mode = #tpu.pipeline_mode<synchronous>, transform_indices = @transform_1, window_bounds = array<i64: 4, 128, 512>}, {pipeline_mode = #tpu.pipeline_mode<synchronous>, transform_indices = @transform_2, window_bounds = array<i64: 128, 128>}, {transform_indices = @transform_3, window_bounds = array<i64: 1, 32, 4096>}]} {
    %get3A = arith.constant 0 : index
    %get3A_0 = arith.constant 0 : index
    %get3A_1 = arith.constant 0 : index
    %get3A_2 = vector.load %arg1[%get3A, %get3A_0, %get3A_1] : memref<1x1024x128xf32, #tpu.memory_space<vmem>>, vector<1x128x128xf32>
    %get3A_3 = vector.shape_cast %get3A_2 : vector<1x128x128xf32> to vector<128x128xf32>
    %get3A_4 = arith.constant 0 : index
    %get3A_5 = arith.constant 0 : index
    %get3A_6 = vector.load %arg3[%get3A_4, %get3A_5] : memref<128x128xf32, #tpu.memory_space<vmem>>, vector<128x128xf32>
    %dot_general3A = arith.constant dense<0.000000e+00> : vector<128x128xf32>
    %dot_general3A_7 = tpu.matmul %get3A_6, %get3A_3, %dot_general3A {dimension_numbers = #tpu.dot_dimension_numbers<[0], [1], [1], [0], [0, 1, 1, 0], [], []>, transpose_lhs_hint = false} : vector<128x128xf32>, vector<128x128xf32>, vector<128x128xf32> -> vector<128x128xf32>
    %broadcast_in_dim3A = arith.constant 0.000000e+00 : f32
    %broadcast_in_dim3A_8 = vector.broadcast %broadcast_in_dim3A : f32 to vector<32x512xf32>
    %slice3A = vector.extract_strided_slice %dot_general3A_7 {offsets = [0, 0], sizes = [32, 128], strides = [1, 1]} : vector<128x128xf32> to vector<32x128xf32>
    %get3A_9 = arith.constant 0 : index
    %get3A_10 = arith.constant 0 : index
    %get3A_11 = arith.constant 0 : index
    %get3A_12 = vector.load %arg2[%get3A_9, %get3A_10, %get3A_11] : memref<4x128x512xf32, #tpu.memory_space<vmem>>, vector<1x128x512xf32>
    %get3A_13 = vector.shape_cast %get3A_12 : vector<1x128x512xf32> to vector<128x512xf32>
    %dot_general3A_14 = arith.constant dense<0.000000e+00> : vector<32x512xf32>
    %dot_general3A_15 = tpu.matmul %slice3A, %get3A_13, %dot_general3A_14 {dimension_numbers = #tpu.dot_dimension_numbers<[1], [0], [0], [1], [0, 0, 1, 1], [], []>, transpose_lhs_hint = false} : vector<32x128xf32>, vector<128x512xf32>, vector<32x512xf32> -> vector<32x512xf32>
    %add3A = arith.addf %broadcast_in_dim3A_8, %dot_general3A_15 : vector<32x512xf32>
    %slice3A_16 = vector.extract_strided_slice %dot_general3A_7 {offsets = [32, 0], sizes = [32, 128], strides = [1, 1]} : vector<128x128xf32> to vector<32x128xf32>
    %get3A_17 = arith.constant 1 : index
    %get3A_18 = arith.constant 0 : index
    %get3A_19 = arith.constant 0 : index
    %get3A_20 = vector.load %arg2[%get3A_17, %get3A_18, %get3A_19] : memref<4x128x512xf32, #tpu.memory_space<vmem>>, vector<1x128x512xf32>
    %get3A_21 = vector.shape_cast %get3A_20 : vector<1x128x512xf32> to vector<128x512xf32>
    %dot_general3A_22 = arith.constant dense<0.000000e+00> : vector<32x512xf32>
    %dot_general3A_23 = tpu.matmul %slice3A_16, %get3A_21, %dot_general3A_22 {dimension_numbers = #tpu.dot_dimension_numbers<[1], [0], [0], [1], [0, 0, 1, 1], [], []>, transpose_lhs_hint = false} : vector<32x128xf32>, vector<128x512xf32>, vector<32x512xf32> -> vector<32x512xf32>
    %add3A_24 = arith.addf %add3A, %dot_general3A_23 : vector<32x512xf32>
    %slice3A_25 = vector.extract_strided_slice %dot_general3A_7 {offsets = [64, 0], sizes = [32, 128], strides = [1, 1]} : vector<128x128xf32> to vector<32x128xf32>
    %get3A_26 = arith.constant 2 : index
    %get3A_27 = arith.constant 0 : index
    %get3A_28 = arith.constant 0 : index
    %get3A_29 = vector.load %arg2[%get3A_26, %get3A_27, %get3A_28] : memref<4x128x512xf32, #tpu.memory_space<vmem>>, vector<1x128x512xf32>
    %get3A_30 = vector.shape_cast %get3A_29 : vector<1x128x512xf32> to vector<128x512xf32>
    %dot_general3A_31 = arith.constant dense<0.000000e+00> : vector<32x512xf32>
    %dot_general3A_32 = tpu.matmul %slice3A_25, %get3A_30, %dot_general3A_31 {dimension_numbers = #tpu.dot_dimension_numbers<[1], [0], [0], [1], [0, 0, 1, 1], [], []>, transpose_lhs_hint = false} : vector<32x128xf32>, vector<128x512xf32>, vector<32x512xf32> -> vector<32x512xf32>
    %add3A_33 = arith.addf %add3A_24, %dot_general3A_32 : vector<32x512xf32>
    %slice3A_34 = vector.extract_strided_slice %dot_general3A_7 {offsets = [96, 0], sizes = [32, 128], strides = [1, 1]} : vector<128x128xf32> to vector<32x128xf32>
    %get3A_35 = arith.constant 3 : index
    %get3A_36 = arith.constant 0 : index
    %get3A_37 = arith.constant 0 : index
    %get3A_38 = vector.load %arg2[%get3A_35, %get3A_36, %get3A_37] : memref<4x128x512xf32, #tpu.memory_space<vmem>>, vector<1x128x512xf32>
    %get3A_39 = vector.shape_cast %get3A_38 : vector<1x128x512xf32> to vector<128x512xf32>
    %dot_general3A_40 = arith.constant dense<0.000000e+00> : vector<32x512xf32>
    %dot_general3A_41 = tpu.matmul %slice3A_34, %get3A_39, %dot_general3A_40 {dimension_numbers = #tpu.dot_dimension_numbers<[1], [0], [0], [1], [0, 0, 1, 1], [], []>, transpose_lhs_hint = false} : vector<32x128xf32>, vector<128x512xf32>, vector<32x512xf32> -> vector<32x512xf32>
    %add3A_42 = arith.addf %add3A_33, %dot_general3A_41 : vector<32x512xf32>
    %iota3A = tpu.iota {dimensions = array<i32: 1>} : vector<32x512xi32>
    %eq3A = arith.constant 0 : i32
    %eq3A_43 = vector.broadcast %eq3A : i32 to vector<32x512xi32>
    %eq3A_44 = arith.cmpi eq, %iota3A, %eq3A_43 : vector<32x512xi32>
    %jit3A = arith.constant 0.000000e+00 : f32
    %broadcast_in_dim3A_45 = vector.broadcast %jit3A : f32 to vector<32x512xf32>
    %select_n3A = arith.select %eq3A_44, %broadcast_in_dim3A_45, %add3A_42 : vector<32x512xi1>, vector<32x512xf32>
    %swap3A = arith.constant 0 : index
    %swap3A_46 = arith.constant 0 : index
    %swap3A_47 = arith.constant 0 : index
    %swap3A_48 = vector.load %arg4[%swap3A, %swap3A_46, %swap3A_47] : memref<1x32x4096xf32, #tpu.memory_space<vmem>>, vector<1x32x512xf32>
    %swap3A_49 = vector.shape_cast %swap3A_48 : vector<1x32x512xf32> to vector<32x512xf32>
    %swap3A_50 = vector.shape_cast %select_n3A : vector<32x512xf32> to vector<1x32x512xf32>
    tpu.vector_store %arg4[%swap3A, %swap3A_46, %swap3A_47], %swap3A_50 {strides = array<i32>} : memref<1x32x4096xf32, #tpu.memory_space<vmem>>, vector<1x32x512xf32>,
    %get3A_51 = arith.constant 0 : index
    %get3A_52 = arith.constant 128 : index
    %get3A_53 = arith.constant 0 : index
    %get3A_54 = vector.load %arg1[%get3A_51, %get3A_52, %get3A_53] : memref<1x1024x128xf32, #tpu.memory_space<vmem>>, vector<1x128x128xf32>
    %get3A_55 = vector.shape_cast %get3A_54 : vector<1x128x128xf32> to vector<128x128xf32>
    %get3A_56 = arith.constant 0 : index
    %get3A_57 = arith.constant 0 : index
    %get3A_58 = vector.load %arg3[%get3A_56, %get3A_57] : memref<128x128xf32, #tpu.memory_space<vmem>>, vector<128x128xf32>
    %dot_general3A_59 = arith.constant dense<0.000000e+00> : vector<128x128xf32>
    %dot_general3A_60 = tpu.matmul %get3A_58, %get3A_55, %dot_general3A_59 {dimension_numbers = #tpu.dot_dimension_numbers<[0], [1], [1], [0], [0, 1, 1, 0], [], []>, transpose_lhs_hint = false} : vector<128x128xf32>, vector<128x128xf32>, vector<128x128xf32> -> vector<128x128xf32>
    %broadcast_in_dim3A_61 = arith.constant 0.000000e+00 : f32
    %broadcast_in_dim3A_62 = vector.broadcast %broadcast_in_dim3A_61 : f32 to vector<32x512xf32>
    %slice3A_63 = vector.extract_strided_slice %dot_general3A_60 {offsets = [0, 0], sizes = [32, 128], strides = [1, 1]} : vector<128x128xf32> to vector<32x128xf32>
    %get3A_64 = arith.constant 0 : index
    %get3A_65 = arith.constant 0 : index
    %get3A_66 = arith.constant 0 : index
    %get3A_67 = vector.load %arg2[%get3A_64, %get3A_65, %get3A_66] : memref<4x128x512xf32, #tpu.memory_space<vmem>>, vector<1x128x512xf32>
    %get3A_68 = vector.shape_cast %get3A_67 : vector<1x128x512xf32> to vector<128x512xf32>
    %dot_general3A_69 = arith.constant dense<0.000000e+00> : vector<32x512xf32>
    %dot_general3A_70 = tpu.matmul %slice3A_63, %get3A_68, %dot_general3A_69 {dimension_numbers = #tpu.dot_dimension_numbers<[1], [0], [0], [1], [0, 0, 1, 1], [], []>, transpose_lhs_hint = false} : vector<32x128xf32>, vector<128x512xf32>, vector<32x512xf32> -> vector<32x512xf32>
    %add3A_71 = arith.addf %broadcast_in_dim3A_62, %dot_general3A_70 : vector<32x512xf32>
    %slice3A_72 = vector.extract_strided_slice %dot_general3A_60 {offsets = [32, 0], sizes = [32, 128], strides = [1, 1]} : vector<128x128xf32> to vector<32x128xf32>
    %get3A_73 = arith.constant 1 : index
    %get3A_74 = arith.constant 0 : index
    %get3A_75 = arith.constant 0 : index
    %get3A_76 = vector.load %arg2[%get3A_73, %get3A_74, %get3A_75] : memref<4x128x512xf32, #tpu.memory_space<vmem>>, vector<1x128x512xf32>
    %get3A_77 = vector.shape_cast %get3A_76 : vector<1x128x512xf32> to vector<128x512xf32>
    %dot_general3A_78 = arith.constant dense<0.000000e+00> : vector<32x512xf32>
    %dot_general3A_79 = tpu.matmul %slice3A_72, %get3A_77, %dot_general3A_78 {dimension_numbers = #tpu.dot_dimension_numbers<[1], [0], [0], [1], [0, 0, 1, 1], [], []>, transpose_lhs_hint = false} : vector<32x128xf32>, vector<128x512xf32>, vector<32x512xf32> -> vector<32x512xf32>
    %add3A_80 = arith.addf %add3A_71, %dot_general3A_79 : vector<32x512xf32>
    %slice3A_81 = vector.extract_strided_slice %dot_general3A_60 {offsets = [64, 0], sizes = [32, 128], strides = [1, 1]} : vector<128x128xf32> to vector<32x128xf32>
    %get3A_82 = arith.constant 2 : index
    %get3A_83 = arith.constant 0 : index
    %get3A_84 = arith.constant 0 : index
    %get3A_85 = vector.load %arg2[%get3A_82, %get3A_83, %get3A_84] : memref<4x128x512xf32, #tpu.memory_space<vmem>>, vector<1x128x512xf32>
    %get3A_86 = vector.shape_cast %get3A_85 : vector<1x128x512xf32> to vector<128x512xf32>
    %dot_general3A_87 = arith.constant dense<0.000000e+00> : vector<32x512xf32>
    %dot_general3A_88 = tpu.matmul %slice3A_81, %get3A_86, %dot_general3A_87 {dimension_numbers = #tpu.dot_dimension_numbers<[1], [0], [0], [1], [0, 0, 1, 1], [], []>, transpose_lhs_hint = false} : vector<32x128xf32>, vector<128x512xf32>, vector<32x512xf32> -> vector<32x512xf32>
    %add3A_89 = arith.addf %add3A_80, %dot_general3A_88 : vector<32x512xf32>
    %slice3A_90 = vector.extract_strided_slice %dot_general3A_60 {offsets = [96, 0], sizes = [32, 128], strides = [1, 1]} : vector<128x128xf32> to vector<32x128xf32>
    %get3A_91 = arith.constant 3 : index
    %get3A_92 = arith.constant 0 : index
    %get3A_93 = arith.constant 0 : index
    %get3A_94 = vector.load %arg2[%get3A_91, %get3A_92, %get3A_93] : memref<4x128x512xf32, #tpu.memory_space<vmem>>, vector<1x128x512xf32>
    %get3A_95 = vector.shape_cast %get3A_94 : vector<1x128x512xf32> to vector<128x512xf32>
    %dot_general3A_96 = arith.constant dense<0.000000e+00> : vector<32x512xf32>
    %dot_general3A_97 = tpu.matmul %slice3A_90, %get3A_95, %dot_general3A_96 {dimension_numbers = #tpu.dot_dimension_numbers<[1], [0], [0], [1], [0, 0, 1, 1], [], []>, transpose_lhs_hint = false} : vector<32x128xf32>, vector<128x512xf32>, vector<32x512xf32> -> vector<32x512xf32>
    %add3A_98 = arith.addf %add3A_89, %dot_general3A_97 : vector<32x512xf32>
    %swap3A_99 = arith.constant 0 : index
    %swap3A_100 = arith.constant 0 : index
    %swap3A_101 = arith.constant 512 : index
    %swap3A_102 = vector.load %arg4[%swap3A_99, %swap3A_100, %swap3A_101] : memref<1x32x4096xf32, #tpu.memory_space<vmem>>, vector<1x32x512xf32>
    %swap3A_103 = vector.shape_cast %swap3A_102 : vector<1x32x512xf32> to vector<32x512xf32>
    %swap3A_104 = vector.shape_cast %add3A_98 : vector<32x512xf32> to vector<1x32x512xf32>
    tpu.vector_store %arg4[%swap3A_99, %swap3A_100, %swap3A_101], %swap3A_104 {strides = array<i32>} : memref<1x32x4096xf32, #tpu.memory_space<vmem>>, vector<1x32x512xf32>,
    %get3A_105 = arith.constant 0 : index
    %get3A_106 = arith.constant 256 : index
    %get3A_107 = arith.constant 0 : index
    %get3A_108 = vector.load %arg1[%get3A_105, %get3A_106, %get3A_107] : memref<1x1024x128xf32, #tpu.memory_space<vmem>>, vector<1x128x128xf32>
    %get3A_109 = vector.shape_cast %get3A_108 : vector<1x128x128xf32> to vector<128x128xf32>
    %get3A_110 = arith.constant 0 : index
    %get3A_111 = arith.constant 0 : index
    %get3A_112 = vector.load %arg3[%get3A_110, %get3A_111] : memref<128x128xf32, #tpu.memory_space<vmem>>, vector<128x128xf32>
    %dot_general3A_113 = arith.constant dense<0.000000e+00> : vector<128x128xf32>
    %dot_general3A_114 = tpu.matmul %get3A_112, %get3A_109, %dot_general3A_113 {dimension_numbers = #tpu.dot_dimension_numbers<[0], [1], [1], [0], [0, 1, 1, 0], [], []>, transpose_lhs_hint = false} : vector<128x128xf32>, vector<128x128xf32>, vector<128x128xf32> -> vector<128x128xf32>
    %broadcast_in_dim3A_115 = arith.constant 0.000000e+00 : f32
    %broadcast_in_dim3A_116 = vector.broadcast %broadcast_in_dim3A_115 : f32 to vector<32x512xf32>
    %slice3A_117 = vector.extract_strided_slice %dot_general3A_114 {offsets = [0, 0], sizes = [32, 128], strides = [1, 1]} : vector<128x128xf32> to vector<32x128xf32>
    %get3A_118 = arith.constant 0 : index
    %get3A_119 = arith.constant 0 : index
    %get3A_120 = arith.constant 0 : index
    %get3A_121 = vector.load %arg2[%get3A_118, %get3A_119, %get3A_120] : memref<4x128x512xf32, #tpu.memory_space<vmem>>, vector<1x128x512xf32>
    %get3A_122 = vector.shape_cast %get3A_121 : vector<1x128x512xf32> to vector<128x512xf32>
    %dot_general3A_123 = arith.constant dense<0.000000e+00> : vector<32x512xf32>
    %dot_general3A_124 = tpu.matmul %slice3A_117, %get3A_122, %dot_general3A_123 {dimension_numbers = #tpu.dot_dimension_numbers<[1], [0], [0], [1], [0, 0, 1, 1], [], []>, transpose_lhs_hint = false} : vector<32x128xf32>, vector<128x512xf32>, vector<32x512xf32> -> vector<32x512xf32>
    %add3A_125 = arith.addf %broadcast_in_dim3A_116, %dot_general3A_124 : vector<32x512xf32>
    %slice3A_126 = vector.extract_strided_slice %dot_general3A_114 {offsets = [32, 0], sizes = [32, 128], strides = [1, 1]} : vector<128x128xf32> to vector<32x128xf32>
    %get3A_127 = arith.constant 1 : index
    %get3A_128 = arith.constant 0 : index
    %get3A_129 = arith.constant 0 : index
    %get3A_130 = vector.load %arg2[%get3A_127, %get3A_128, %get3A_129] : memref<4x128x512xf32, #tpu.memory_space<vmem>>, vector<1x128x512xf32>
    %get3A_131 = vector.shape_cast %get3A_130 : vector<1x128x512xf32> to vector<128x512xf32>
    %dot_general3A_132 = arith.constant dense<0.000000e+00> : vector<32x512xf32>
    %dot_general3A_133 = tpu.matmul %slice3A_126, %get3A_131, %dot_general3A_132 {dimension_numbers = #tpu.dot_dimension_numbers<[1], [0], [0], [1], [0, 0, 1, 1], [], []>, transpose_lhs_hint = false} : vector<32x128xf32>, vector<128x512xf32>, vector<32x512xf32> -> vector<32x512xf32>
    %add3A_134 = arith.addf %add3A_125, %dot_general3A_133 : vector<32x512xf32>
    %slice3A_135 = vector.extract_strided_slice %dot_general3A_114 {offsets = [64, 0], sizes = [32, 128], strides = [1, 1]} : vector<128x128xf32> to vector<32x128xf32>
    %get3A_136 = arith.constant 2 : index
    %get3A_137 = arith.constant 0 : index
    %get3A_138 = arith.constant 0 : index
    %get3A_139 = vector.load %arg2[%get3A_136, %get3A_137, %get3A_138] : memref<4x128x512xf32, #tpu.memory_space<vmem>>, vector<1x128x512xf32>
    %get3A_140 = vector.shape_cast %get3A_139 : vector<1x128x512xf32> to vector<128x512xf32>
    %dot_general3A_141 = arith.constant dense<0.000000e+00> : vector<32x512xf32>
    %dot_general3A_142 = tpu.matmul %slice3A_135, %get3A_140, %dot_general3A_141 {dimension_numbers = #tpu.dot_dimension_numbers<[1], [0], [0], [1], [0, 0, 1, 1], [], []>, transpose_lhs_hint = false} : vector<32x128xf32>, vector<128x512xf32>, vector<32x512xf32> -> vector<32x512xf32>
    %add3A_143 = arith.addf %add3A_134, %dot_general3A_142 : vector<32x512xf32>
    %slice3A_144 = vector.extract_strided_slice %dot_general3A_114 {offsets = [96, 0], sizes = [32, 128], strides = [1, 1]} : vector<128x128xf32> to vector<32x128xf32>
    %get3A_145 = arith.constant 3 : index
    %get3A_146 = arith.constant 0 : index
    %get3A_147 = arith.constant 0 : index
    %get3A_148 = vector.load %arg2[%get3A_145, %get3A_146, %get3A_147] : memref<4x128x512xf32, #tpu.memory_space<vmem>>, vector<1x128x512xf32>
    %get3A_149 = vector.shape_cast %get3A_148 : vector<1x128x512xf32> to vector<128x512xf32>
    %dot_general3A_150 = arith.constant dense<0.000000e+00> : vector<32x512xf32>
    %dot_general3A_151 = tpu.matmul %slice3A_144, %get3A_149, %dot_general3A_150 {dimension_numbers = #tpu.dot_dimension_numbers<[1], [0], [0], [1], [0, 0, 1, 1], [], []>, transpose_lhs_hint = false} : vector<32x128xf32>, vector<128x512xf32>, vector<32x512xf32> -> vector<32x512xf32>
    %add3A_152 = arith.addf %add3A_143, %dot_general3A_151 : vector<32x512xf32>
    %swap3A_153 = arith.constant 0 : index
    %swap3A_154 = arith.constant 0 : index
    %swap3A_155 = arith.constant 1024 : index
    %swap3A_156 = vector.load %arg4[%swap3A_153, %swap3A_154, %swap3A_155] : memref<1x32x4096xf32, #tpu.memory_space<vmem>>, vector<1x32x512xf32>
    %swap3A_157 = vector.shape_cast %swap3A_156 : vector<1x32x512xf32> to vector<32x512xf32>
    %swap3A_158 = vector.shape_cast %add3A_152 : vector<32x512xf32> to vector<1x32x512xf32>
    tpu.vector_store %arg4[%swap3A_153, %swap3A_154, %swap3A_155], %swap3A_158 {strides = array<i32>} : memref<1x32x4096xf32, #tpu.memory_space<vmem>>, vector<1x32x512xf32>,
    %get3A_159 = arith.constant 0 : index
    %get3A_160 = arith.constant 384 : index
    %get3A_161 = arith.constant 0 : index
    %get3A_162 = vector.load %arg1[%get3A_159, %get3A_160, %get3A_161] : memref<1x1024x128xf32, #tpu.memory_space<vmem>>, vector<1x128x128xf32>
    %get3A_163 = vector.shape_cast %get3A_162 : vector<1x128x128xf32> to vector<128x128xf32>
    %get3A_164 = arith.constant 0 : index
    %get3A_165 = arith.constant 0 : index
    %get3A_166 = vector.load %arg3[%get3A_164, %get3A_165] : memref<128x128xf32, #tpu.memory_space<vmem>>, vector<128x128xf32>
    %dot_general3A_167 = arith.constant dense<0.000000e+00> : vector<128x128xf32>
    %dot_general3A_168 = tpu.matmul %get3A_166, %get3A_163, %dot_general3A_167 {dimension_numbers = #tpu.dot_dimension_numbers<[0], [1], [1], [0], [0, 1, 1, 0], [], []>, transpose_lhs_hint = false} : vector<128x128xf32>, vector<128x128xf32>, vector<128x128xf32> -> vector<128x128xf32>
    %broadcast_in_dim3A_169 = arith.constant 0.000000e+00 : f32
    %broadcast_in_dim3A_170 = vector.broadcast %broadcast_in_dim3A_169 : f32 to vector<32x512xf32>
    %slice3A_171 = vector.extract_strided_slice %dot_general3A_168 {offsets = [0, 0], sizes = [32, 128], strides = [1, 1]} : vector<128x128xf32> to vector<32x128xf32>
    %get3A_172 = arith.constant 0 : index
    %get3A_173 = arith.constant 0 : index
    %get3A_174 = arith.constant 0 : index
    %get3A_175 = vector.load %arg2[%get3A_172, %get3A_173, %get3A_174] : memref<4x128x512xf32, #tpu.memory_space<vmem>>, vector<1x128x512xf32>
    %get3A_176 = vector.shape_cast %get3A_175 : vector<1x128x512xf32> to vector<128x512xf32>
    %dot_general3A_177 = arith.constant dense<0.000000e+00> : vector<32x512xf32>
    %dot_general3A_178 = tpu.matmul %slice3A_171, %get3A_176, %dot_general3A_177 {dimension_numbers = #tpu.dot_dimension_numbers<[1], [0], [0], [1], [0, 0, 1, 1], [], []>, transpose_lhs_hint = false} : vector<32x128xf32>, vector<128x512xf32>, vector<32x512xf32> -> vector<32x512xf32>
    %add3A_179 = arith.addf %broadcast_in_dim3A_170, %dot_general3A_178 : vector<32x512xf32>
    %slice3A_180 = vector.extract_strided_slice %dot_general3A_168 {offsets = [32, 0], sizes = [32, 128], strides = [1, 1]} : vector<128x128xf32> to vector<32x128xf32>
    %get3A_181 = arith.constant 1 : index
    %get3A_182 = arith.constant 0 : index
    %get3A_183 = arith.constant 0 : index
    %get3A_184 = vector.load %arg2[%get3A_181, %get3A_182, %get3A_183] : memref<4x128x512xf32, #tpu.memory_space<vmem>>, vector<1x128x512xf32>
    %get3A_185 = vector.shape_cast %get3A_184 : vector<1x128x512xf32> to vector<128x512xf32>
    %dot_general3A_186 = arith.constant dense<0.000000e+00> : vector<32x512xf32>
    %dot_general3A_187 = tpu.matmul %slice3A_180, %get3A_185, %dot_general3A_186 {dimension_numbers = #tpu.dot_dimension_numbers<[1], [0], [0], [1], [0, 0, 1, 1], [], []>, transpose_lhs_hint = false} : vector<32x128xf32>, vector<128x512xf32>, vector<32x512xf32> -> vector<32x512xf32>
    %add3A_188 = arith.addf %add3A_179, %dot_general3A_187 : vector<32x512xf32>
    %slice3A_189 = vector.extract_strided_slice %dot_general3A_168 {offsets = [64, 0], sizes = [32, 128], strides = [1, 1]} : vector<128x128xf32> to vector<32x128xf32>
    %get3A_190 = arith.constant 2 : index
    %get3A_191 = arith.constant 0 : index
    %get3A_192 = arith.constant 0 : index
    %get3A_193 = vector.load %arg2[%get3A_190, %get3A_191, %get3A_192] : memref<4x128x512xf32, #tpu.memory_space<vmem>>, vector<1x128x512xf32>
    %get3A_194 = vector.shape_cast %get3A_193 : vector<1x128x512xf32> to vector<128x512xf32>
    %dot_general3A_195 = arith.constant dense<0.000000e+00> : vector<32x512xf32>
    %dot_general3A_196 = tpu.matmul %slice3A_189, %get3A_194, %dot_general3A_195 {dimension_numbers = #tpu.dot_dimension_numbers<[1], [0], [0], [1], [0, 0, 1, 1], [], []>, transpose_lhs_hint = false} : vector<32x128xf32>, vector<128x512xf32>, vector<32x512xf32> -> vector<32x512xf32>
    %add3A_197 = arith.addf %add3A_188, %dot_general3A_196 : vector<32x512xf32>
    %slice3A_198 = vector.extract_strided_slice %dot_general3A_168 {offsets = [96, 0], sizes = [32, 128], strides = [1, 1]} : vector<128x128xf32> to vector<32x128xf32>
    %get3A_199 = arith.constant 3 : index
    %get3A_200 = arith.constant 0 : index
    %get3A_201 = arith.constant 0 : index
    %get3A_202 = vector.load %arg2[%get3A_199, %get3A_200, %get3A_201] : memref<4x128x512xf32, #tpu.memory_space<vmem>>, vector<1x128x512xf32>
    %get3A_203 = vector.shape_cast %get3A_202 : vector<1x128x512xf32> to vector<128x512xf32>
    %dot_general3A_204 = arith.constant dense<0.000000e+00> : vector<32x512xf32>
    %dot_general3A_205 = tpu.matmul %slice3A_198, %get3A_203, %dot_general3A_204 {dimension_numbers = #tpu.dot_dimension_numbers<[1], [0], [0], [1], [0, 0, 1, 1], [], []>, transpose_lhs_hint = false} : vector<32x128xf32>, vector<128x512xf32>, vector<32x512xf32> -> vector<32x512xf32>
    %add3A_206 = arith.addf %add3A_197, %dot_general3A_205 : vector<32x512xf32>
    %swap3A_207 = arith.constant 0 : index
    %swap3A_208 = arith.constant 0 : index
    %swap3A_209 = arith.constant 1536 : index
    %swap3A_210 = vector.load %arg4[%swap3A_207, %swap3A_208, %swap3A_209] : memref<1x32x4096xf32, #tpu.memory_space<vmem>>, vector<1x32x512xf32>
    %swap3A_211 = vector.shape_cast %swap3A_210 : vector<1x32x512xf32> to vector<32x512xf32>
    %swap3A_212 = vector.shape_cast %add3A_206 : vector<32x512xf32> to vector<1x32x512xf32>
    tpu.vector_store %arg4[%swap3A_207, %swap3A_208, %swap3A_209], %swap3A_212 {strides = array<i32>} : memref<1x32x4096xf32, #tpu.memory_space<vmem>>, vector<1x32x512xf32>,
    %get3A_213 = arith.constant 0 : index
    %get3A_214 = arith.constant 512 : index
    %get3A_215 = arith.constant 0 : index
    %get3A_216 = vector.load %arg1[%get3A_213, %get3A_214, %get3A_215] : memref<1x1024x128xf32, #tpu.memory_space<vmem>>, vector<1x128x128xf32>
    %get3A_217 = vector.shape_cast %get3A_216 : vector<1x128x128xf32> to vector<128x128xf32>
    %get3A_218 = arith.constant 0 : index
    %get3A_219 = arith.constant 0 : index
    %get3A_220 = vector.load %arg3[%get3A_218, %get3A_219] : memref<128x128xf32, #tpu.memory_space<vmem>>, vector<128x128xf32>
    %dot_general3A_221 = arith.constant dense<0.000000e+00> : vector<128x128xf32>
    %dot_general3A_222 = tpu.matmul %get3A_220, %get3A_217, %dot_general3A_221 {dimension_numbers = #tpu.dot_dimension_numbers<[0], [1], [1], [0], [0, 1, 1, 0], [], []>, transpose_lhs_hint = false} : vector<128x128xf32>, vector<128x128xf32>, vector<128x128xf32> -> vector<128x128xf32>
    %broadcast_in_dim3A_223 = arith.constant 0.000000e+00 : f32
    %broadcast_in_dim3A_224 = vector.broadcast %broadcast_in_dim3A_223 : f32 to vector<32x512xf32>
    %slice3A_225 = vector.extract_strided_slice %dot_general3A_222 {offsets = [0, 0], sizes = [32, 128], strides = [1, 1]} : vector<128x128xf32> to vector<32x128xf32>
    %get3A_226 = arith.constant 0 : index
    %get3A_227 = arith.constant 0 : index
    %get3A_228 = arith.constant 0 : index
    %get3A_229 = vector.load %arg2[%get3A_226, %get3A_227, %get3A_228] : memref<4x128x512xf32, #tpu.memory_space<vmem>>, vector<1x128x512xf32>
    %get3A_230 = vector.shape_cast %get3A_229 : vector<1x128x512xf32> to vector<128x512xf32>
    %dot_general3A_231 = arith.constant dense<0.000000e+00> : vector<32x512xf32>
    %dot_general3A_232 = tpu.matmul %slice3A_225, %get3A_230, %dot_general3A_231 {dimension_numbers = #tpu.dot_dimension_numbers<[1], [0], [0], [1], [0, 0, 1, 1], [], []>, transpose_lhs_hint = false} : vector<32x128xf32>, vector<128x512xf32>, vector<32x512xf32> -> vector<32x512xf32>
    %add3A_233 = arith.addf %broadcast_in_dim3A_224, %dot_general3A_232 : vector<32x512xf32>
    %slice3A_234 = vector.extract_strided_slice %dot_general3A_222 {offsets = [32, 0], sizes = [32, 128], strides = [1, 1]} : vector<128x128xf32> to vector<32x128xf32>
    %get3A_235 = arith.constant 1 : index
    %get3A_236 = arith.constant 0 : index
    %get3A_237 = arith.constant 0 : index
    %get3A_238 = vector.load %arg2[%get3A_235, %get3A_236, %get3A_237] : memref<4x128x512xf32, #tpu.memory_space<vmem>>, vector<1x128x512xf32>
    %get3A_239 = vector.shape_cast %get3A_238 : vector<1x128x512xf32> to vector<128x512xf32>
    %dot_general3A_240 = arith.constant dense<0.000000e+00> : vector<32x512xf32>
    %dot_general3A_241 = tpu.matmul %slice3A_234, %get3A_239, %dot_general3A_240 {dimension_numbers = #tpu.dot_dimension_numbers<[1], [0], [0], [1], [0, 0, 1, 1], [], []>, transpose_lhs_hint = false} : vector<32x128xf32>, vector<128x512xf32>, vector<32x512xf32> -> vector<32x512xf32>
    %add3A_242 = arith.addf %add3A_233, %dot_general3A_241 : vector<32x512xf32>
    %slice3A_243 = vector.extract_strided_slice %dot_general3A_222 {offsets = [64, 0], sizes = [32, 128], strides = [1, 1]} : vector<128x128xf32> to vector<32x128xf32>
    %get3A_244 = arith.constant 2 : index
    %get3A_245 = arith.constant 0 : index
    %get3A_246 = arith.constant 0 : index
    %get3A_247 = vector.load %arg2[%get3A_244, %get3A_245, %get3A_246] : memref<4x128x512xf32, #tpu.memory_space<vmem>>, vector<1x128x512xf32>
    %get3A_248 = vector.shape_cast %get3A_247 : vector<1x128x512xf32> to vector<128x512xf32>
    %dot_general3A_249 = arith.constant dense<0.000000e+00> : vector<32x512xf32>
    %dot_general3A_250 = tpu.matmul %slice3A_243, %get3A_248, %dot_general3A_249 {dimension_numbers = #tpu.dot_dimension_numbers<[1], [0], [0], [1], [0, 0, 1, 1], [], []>, transpose_lhs_hint = false} : vector<32x128xf32>, vector<128x512xf32>, vector<32x512xf32> -> vector<32x512xf32>
    %add3A_251 = arith.addf %add3A_242, %dot_general3A_250 : vector<32x512xf32>
    %slice3A_252 = vector.extract_strided_slice %dot_general3A_222 {offsets = [96, 0], sizes = [32, 128], strides = [1, 1]} : vector<128x128xf32> to vector<32x128xf32>
    %get3A_253 = arith.constant 3 : index
    %get3A_254 = arith.constant 0 : index
    %get3A_255 = arith.constant 0 : index
    %get3A_256 = vector.load %arg2[%get3A_253, %get3A_254, %get3A_255] : memref<4x128x512xf32, #tpu.memory_space<vmem>>, vector<1x128x512xf32>
    %get3A_257 = vector.shape_cast %get3A_256 : vector<1x128x512xf32> to vector<128x512xf32>
    %dot_general3A_258 = arith.constant dense<0.000000e+00> : vector<32x512xf32>
    %dot_general3A_259 = tpu.matmul %slice3A_252, %get3A_257, %dot_general3A_258 {dimension_numbers = #tpu.dot_dimension_numbers<[1], [0], [0], [1], [0, 0, 1, 1], [], []>, transpose_lhs_hint = false} : vector<32x128xf32>, vector<128x512xf32>, vector<32x512xf32> -> vector<32x512xf32>
    %add3A_260 = arith.addf %add3A_251, %dot_general3A_259 : vector<32x512xf32>
    %swap3A_261 = arith.constant 0 : index
    %swap3A_262 = arith.constant 0 : index
    %swap3A_263 = arith.constant 2048 : index
    %swap3A_264 = vector.load %arg4[%swap3A_261, %swap3A_262, %swap3A_263] : memref<1x32x4096xf32, #tpu.memory_space<vmem>>, vector<1x32x512xf32>
    %swap3A_265 = vector.shape_cast %swap3A_264 : vector<1x32x512xf32> to vector<32x512xf32>
    %swap3A_266 = vector.shape_cast %add3A_260 : vector<32x512xf32> to vector<1x32x512xf32>
    tpu.vector_store %arg4[%swap3A_261, %swap3A_262, %swap3A_263], %swap3A_266 {strides = array<i32>} : memref<1x32x4096xf32, #tpu.memory_space<vmem>>, vector<1x32x512xf32>,
    %get3A_267 = arith.constant 0 : index
    %get3A_268 = arith.constant 640 : index
    %get3A_269 = arith.constant 0 : index
    %get3A_270 = vector.load %arg1[%get3A_267, %get3A_268, %get3A_269] : memref<1x1024x128xf32, #tpu.memory_space<vmem>>, vector<1x128x128xf32>
    %get3A_271 = vector.shape_cast %get3A_270 : vector<1x128x128xf32> to vector<128x128xf32>
    %get3A_272 = arith.constant 0 : index
    %get3A_273 = arith.constant 0 : index
    %get3A_274 = vector.load %arg3[%get3A_272, %get3A_273] : memref<128x128xf32, #tpu.memory_space<vmem>>, vector<128x128xf32>
    %dot_general3A_275 = arith.constant dense<0.000000e+00> : vector<128x128xf32>
    %dot_general3A_276 = tpu.matmul %get3A_274, %get3A_271, %dot_general3A_275 {dimension_numbers = #tpu.dot_dimension_numbers<[0], [1], [1], [0], [0, 1, 1, 0], [], []>, transpose_lhs_hint = false} : vector<128x128xf32>, vector<128x128xf32>, vector<128x128xf32> -> vector<128x128xf32>
    %broadcast_in_dim3A_277 = arith.constant 0.000000e+00 : f32
    %broadcast_in_dim3A_278 = vector.broadcast %broadcast_in_dim3A_277 : f32 to vector<32x512xf32>
    %slice3A_279 = vector.extract_strided_slice %dot_general3A_276 {offsets = [0, 0], sizes = [32, 128], strides = [1, 1]} : vector<128x128xf32> to vector<32x128xf32>
    %get3A_280 = arith.constant 0 : index
    %get3A_281 = arith.constant 0 : index
    %get3A_282 = arith.constant 0 : index
    %get3A_283 = vector.load %arg2[%get3A_280, %get3A_281, %get3A_282] : memref<4x128x512xf32, #tpu.memory_space<vmem>>, vector<1x128x512xf32>
    %get3A_284 = vector.shape_cast %get3A_283 : vector<1x128x512xf32> to vector<128x512xf32>
    %dot_general3A_285 = arith.constant dense<0.000000e+00> : vector<32x512xf32>
    %dot_general3A_286 = tpu.matmul %slice3A_279, %get3A_284, %dot_general3A_285 {dimension_numbers = #tpu.dot_dimension_numbers<[1], [0], [0], [1], [0, 0, 1, 1], [], []>, transpose_lhs_hint = false} : vector<32x128xf32>, vector<128x512xf32>, vector<32x512xf32> -> vector<32x512xf32>
    %add3A_287 = arith.addf %broadcast_in_dim3A_278, %dot_general3A_286 : vector<32x512xf32>
    %slice3A_288 = vector.extract_strided_slice %dot_general3A_276 {offsets = [32, 0], sizes = [32, 128], strides = [1, 1]} : vector<128x128xf32> to vector<32x128xf32>
    %get3A_289 = arith.constant 1 : index
    %get3A_290 = arith.constant 0 : index
    %get3A_291 = arith.constant 0 : index
    %get3A_292 = vector.load %arg2[%get3A_289, %get3A_290, %get3A_291] : memref<4x128x512xf32, #tpu.memory_space<vmem>>, vector<1x128x512xf32>
    %get3A_293 = vector.shape_cast %get3A_292 : vector<1x128x512xf32> to vector<128x512xf32>
    %dot_general3A_294 = arith.constant dense<0.000000e+00> : vector<32x512xf32>
    %dot_general3A_295 = tpu.matmul %slice3A_288, %get3A_293, %dot_general3A_294 {dimension_numbers = #tpu.dot_dimension_numbers<[1], [0], [0], [1], [0, 0, 1, 1], [], []>, transpose_lhs_hint = false} : vector<32x128xf32>, vector<128x512xf32>, vector<32x512xf32> -> vector<32x512xf32>
    %add3A_296 = arith.addf %add3A_287, %dot_general3A_295 : vector<32x512xf32>
    %slice3A_297 = vector.extract_strided_slice %dot_general3A_276 {offsets = [64, 0], sizes = [32, 128], strides = [1, 1]} : vector<128x128xf32> to vector<32x128xf32>
    %get3A_298 = arith.constant 2 : index
    %get3A_299 = arith.constant 0 : index
    %get3A_300 = arith.constant 0 : index
    %get3A_301 = vector.load %arg2[%get3A_298, %get3A_299, %get3A_300] : memref<4x128x512xf32, #tpu.memory_space<vmem>>, vector<1x128x512xf32>
    %get3A_302 = vector.shape_cast %get3A_301 : vector<1x128x512xf32> to vector<128x512xf32>
    %dot_general3A_303 = arith.constant dense<0.000000e+00> : vector<32x512xf32>
    %dot_general3A_304 = tpu.matmul %slice3A_297, %get3A_302, %dot_general3A_303 {dimension_numbers = #tpu.dot_dimension_numbers<[1], [0], [0], [1], [0, 0, 1, 1], [], []>, transpose_lhs_hint = false} : vector<32x128xf32>, vector<128x512xf32>, vector<32x512xf32> -> vector<32x512xf32>
    %add3A_305 = arith.addf %add3A_296, %dot_general3A_304 : vector<32x512xf32>
    %slice3A_306 = vector.extract_strided_slice %dot_general3A_276 {offsets = [96, 0], sizes = [32, 128], strides = [1, 1]} : vector<128x128xf32> to vector<32x128xf32>
    %get3A_307 = arith.constant 3 : index
    %get3A_308 = arith.constant 0 : index
    %get3A_309 = arith.constant 0 : index
    %get3A_310 = vector.load %arg2[%get3A_307, %get3A_308, %get3A_309] : memref<4x128x512xf32, #tpu.memory_space<vmem>>, vector<1x128x512xf32>
    %get3A_311 = vector.shape_cast %get3A_310 : vector<1x128x512xf32> to vector<128x512xf32>
    %dot_general3A_312 = arith.constant dense<0.000000e+00> : vector<32x512xf32>
    %dot_general3A_313 = tpu.matmul %slice3A_306, %get3A_311, %dot_general3A_312 {dimension_numbers = #tpu.dot_dimension_numbers<[1], [0], [0], [1], [0, 0, 1, 1], [], []>, transpose_lhs_hint = false} : vector<32x128xf32>, vector<128x512xf32>, vector<32x512xf32> -> vector<32x512xf32>
    %add3A_314 = arith.addf %add3A_305, %dot_general3A_313 : vector<32x512xf32>
    %swap3A_315 = arith.constant 0 : index
    %swap3A_316 = arith.constant 0 : index
    %swap3A_317 = arith.constant 2560 : index
    %swap3A_318 = vector.load %arg4[%swap3A_315, %swap3A_316, %swap3A_317] : memref<1x32x4096xf32, #tpu.memory_space<vmem>>, vector<1x32x512xf32>
    %swap3A_319 = vector.shape_cast %swap3A_318 : vector<1x32x512xf32> to vector<32x512xf32>
    %swap3A_320 = vector.shape_cast %add3A_314 : vector<32x512xf32> to vector<1x32x512xf32>
    tpu.vector_store %arg4[%swap3A_315, %swap3A_316, %swap3A_317], %swap3A_320 {strides = array<i32>} : memref<1x32x4096xf32, #tpu.memory_space<vmem>>, vector<1x32x512xf32>,
    %get3A_321 = arith.constant 0 : index
    %get3A_322 = arith.constant 768 : index
    %get3A_323 = arith.constant 0 : index
    %get3A_324 = vector.load %arg1[%get3A_321, %get3A_322, %get3A_323] : memref<1x1024x128xf32, #tpu.memory_space<vmem>>, vector<1x128x128xf32>
    %get3A_325 = vector.shape_cast %get3A_324 : vector<1x128x128xf32> to vector<128x128xf32>
    %get3A_326 = arith.constant 0 : index
    %get3A_327 = arith.constant 0 : index
    %get3A_328 = vector.load %arg3[%get3A_326, %get3A_327] : memref<128x128xf32, #tpu.memory_space<vmem>>, vector<128x128xf32>
    %dot_general3A_329 = arith.constant dense<0.000000e+00> : vector<128x128xf32>
    %dot_general3A_330 = tpu.matmul %get3A_328, %get3A_325, %dot_general3A_329 {dimension_numbers = #tpu.dot_dimension_numbers<[0], [1], [1], [0], [0, 1, 1, 0], [], []>, transpose_lhs_hint = false} : vector<128x128xf32>, vector<128x128xf32>, vector<128x128xf32> -> vector<128x128xf32>
    %broadcast_in_dim3A_331 = arith.constant 0.000000e+00 : f32
    %broadcast_in_dim3A_332 = vector.broadcast %broadcast_in_dim3A_331 : f32 to vector<32x512xf32>
    %slice3A_333 = vector.extract_strided_slice %dot_general3A_330 {offsets = [0, 0], sizes = [32, 128], strides = [1, 1]} : vector<128x128xf32> to vector<32x128xf32>
    %get3A_334 = arith.constant 0 : index
    %get3A_335 = arith.constant 0 : index
    %get3A_336 = arith.constant 0 : index
    %get3A_337 = vector.load %arg2[%get3A_334, %get3A_335, %get3A_336] : memref<4x128x512xf32, #tpu.memory_space<vmem>>, vector<1x128x512xf32>
    %get3A_338 = vector.shape_cast %get3A_337 : vector<1x128x512xf32> to vector<128x512xf32>
    %dot_general3A_339 = arith.constant dense<0.000000e+00> : vector<32x512xf32>
    %dot_general3A_340 = tpu.matmul %slice3A_333, %get3A_338, %dot_general3A_339 {dimension_numbers = #tpu.dot_dimension_numbers<[1], [0], [0], [1], [0, 0, 1, 1], [], []>, transpose_lhs_hint = false} : vector<32x128xf32>, vector<128x512xf32>, vector<32x512xf32> -> vector<32x512xf32>
    %add3A_341 = arith.addf %broadcast_in_dim3A_332, %dot_general3A_340 : vector<32x512xf32>
    %slice3A_342 = vector.extract_strided_slice %dot_general3A_330 {offsets = [32, 0], sizes = [32, 128], strides = [1, 1]} : vector<128x128xf32> to vector<32x128xf32>
    %get3A_343 = arith.constant 1 : index
    %get3A_344 = arith.constant 0 : index
    %get3A_345 = arith.constant 0 : index
    %get3A_346 = vector.load %arg2[%get3A_343, %get3A_344, %get3A_345] : memref<4x128x512xf32, #tpu.memory_space<vmem>>, vector<1x128x512xf32>
    %get3A_347 = vector.shape_cast %get3A_346 : vector<1x128x512xf32> to vector<128x512xf32>
    %dot_general3A_348 = arith.constant dense<0.000000e+00> : vector<32x512xf32>
    %dot_general3A_349 = tpu.matmul %slice3A_342, %get3A_347, %dot_general3A_348 {dimension_numbers = #tpu.dot_dimension_numbers<[1], [0], [0], [1], [0, 0, 1, 1], [], []>, transpose_lhs_hint = false} : vector<32x128xf32>, vector<128x512xf32>, vector<32x512xf32> -> vector<32x512xf32>
    %add3A_350 = arith.addf %add3A_341, %dot_general3A_349 : vector<32x512xf32>
    %slice3A_351 = vector.extract_strided_slice %dot_general3A_330 {offsets = [64, 0], sizes = [32, 128], strides = [1, 1]} : vector<128x128xf32> to vector<32x128xf32>
    %get3A_352 = arith.constant 2 : index
    %get3A_353 = arith.constant 0 : index
    %get3A_354 = arith.constant 0 : index
    %get3A_355 = vector.load %arg2[%get3A_352, %get3A_353, %get3A_354] : memref<4x128x512xf32, #tpu.memory_space<vmem>>, vector<1x128x512xf32>
    %get3A_356 = vector.shape_cast %get3A_355 : vector<1x128x512xf32> to vector<128x512xf32>
    %dot_general3A_357 = arith.constant dense<0.000000e+00> : vector<32x512xf32>
    %dot_general3A_358 = tpu.matmul %slice3A_351, %get3A_356, %dot_general3A_357 {dimension_numbers = #tpu.dot_dimension_numbers<[1], [0], [0], [1], [0, 0, 1, 1], [], []>, transpose_lhs_hint = false} : vector<32x128xf32>, vector<128x512xf32>, vector<32x512xf32> -> vector<32x512xf32>
    %add3A_359 = arith.addf %add3A_350, %dot_general3A_358 : vector<32x512xf32>
    %slice3A_360 = vector.extract_strided_slice %dot_general3A_330 {offsets = [96, 0], sizes = [32, 128], strides = [1, 1]} : vector<128x128xf32> to vector<32x128xf32>
    %get3A_361 = arith.constant 3 : index
    %get3A_362 = arith.constant 0 : index
    %get3A_363 = arith.constant 0 : index
    %get3A_364 = vector.load %arg2[%get3A_361, %get3A_362, %get3A_363] : memref<4x128x512xf32, #tpu.memory_space<vmem>>, vector<1x128x512xf32>
    %get3A_365 = vector.shape_cast %get3A_364 : vector<1x128x512xf32> to vector<128x512xf32>
    %dot_general3A_366 = arith.constant dense<0.000000e+00> : vector<32x512xf32>
    %dot_general3A_367 = tpu.matmul %slice3A_360, %get3A_365, %dot_general3A_366 {dimension_numbers = #tpu.dot_dimension_numbers<[1], [0], [0], [1], [0, 0, 1, 1], [], []>, transpose_lhs_hint = false} : vector<32x128xf32>, vector<128x512xf32>, vector<32x512xf32> -> vector<32x512xf32>
    %add3A_368 = arith.addf %add3A_359, %dot_general3A_367 : vector<32x512xf32>
    %swap3A_369 = arith.constant 0 : index
    %swap3A_370 = arith.constant 0 : index
    %swap3A_371 = arith.constant 3072 : index
    %swap3A_372 = vector.load %arg4[%swap3A_369, %swap3A_370, %swap3A_371] : memref<1x32x4096xf32, #tpu.memory_space<vmem>>, vector<1x32x512xf32>
    %swap3A_373 = vector.shape_cast %swap3A_372 : vector<1x32x512xf32> to vector<32x512xf32>
    %swap3A_374 = vector.shape_cast %add3A_368 : vector<32x512xf32> to vector<1x32x512xf32>
    tpu.vector_store %arg4[%swap3A_369, %swap3A_370, %swap3A_371], %swap3A_374 {strides = array<i32>} : memref<1x32x4096xf32, #tpu.memory_space<vmem>>, vector<1x32x512xf32>,
    %get3A_375 = arith.constant 0 : index
    %get3A_376 = arith.constant 896 : index
    %get3A_377 = arith.constant 0 : index
    %get3A_378 = vector.load %arg1[%get3A_375, %get3A_376, %get3A_377] : memref<1x1024x128xf32, #tpu.memory_space<vmem>>, vector<1x128x128xf32>
    %get3A_379 = vector.shape_cast %get3A_378 : vector<1x128x128xf32> to vector<128x128xf32>
    %get3A_380 = arith.constant 0 : index
    %get3A_381 = arith.constant 0 : index
    %get3A_382 = vector.load %arg3[%get3A_380, %get3A_381] : memref<128x128xf32, #tpu.memory_space<vmem>>, vector<128x128xf32>
    %dot_general3A_383 = arith.constant dense<0.000000e+00> : vector<128x128xf32>
    %dot_general3A_384 = tpu.matmul %get3A_382, %get3A_379, %dot_general3A_383 {dimension_numbers = #tpu.dot_dimension_numbers<[0], [1], [1], [0], [0, 1, 1, 0], [], []>, transpose_lhs_hint = false} : vector<128x128xf32>, vector<128x128xf32>, vector<128x128xf32> -> vector<128x128xf32>
    %broadcast_in_dim3A_385 = arith.constant 0.000000e+00 : f32
    %broadcast_in_dim3A_386 = vector.broadcast %broadcast_in_dim3A_385 : f32 to vector<32x512xf32>
    %slice3A_387 = vector.extract_strided_slice %dot_general3A_384 {offsets = [0, 0], sizes = [32, 128], strides = [1, 1]} : vector<128x128xf32> to vector<32x128xf32>
    %get3A_388 = arith.constant 0 : index
    %get3A_389 = arith.constant 0 : index
    %get3A_390 = arith.constant 0 : index
    %get3A_391 = vector.load %arg2[%get3A_388, %get3A_389, %get3A_390] : memref<4x128x512xf32, #tpu.memory_space<vmem>>, vector<1x128x512xf32>
    %get3A_392 = vector.shape_cast %get3A_391 : vector<1x128x512xf32> to vector<128x512xf32>
    %dot_general3A_393 = arith.constant dense<0.000000e+00> : vector<32x512xf32>
    %dot_general3A_394 = tpu.matmul %slice3A_387, %get3A_392, %dot_general3A_393 {dimension_numbers = #tpu.dot_dimension_numbers<[1], [0], [0], [1], [0, 0, 1, 1], [], []>, transpose_lhs_hint = false} : vector<32x128xf32>, vector<128x512xf32>, vector<32x512xf32> -> vector<32x512xf32>
    %add3A_395 = arith.addf %broadcast_in_dim3A_386, %dot_general3A_394 : vector<32x512xf32>
    %slice3A_396 = vector.extract_strided_slice %dot_general3A_384 {offsets = [32, 0], sizes = [32, 128], strides = [1, 1]} : vector<128x128xf32> to vector<32x128xf32>
    %get3A_397 = arith.constant 1 : index
    %get3A_398 = arith.constant 0 : index
    %get3A_399 = arith.constant 0 : index
    %get3A_400 = vector.load %arg2[%get3A_397, %get3A_398, %get3A_399] : memref<4x128x512xf32, #tpu.memory_space<vmem>>, vector<1x128x512xf32>
    %get3A_401 = vector.shape_cast %get3A_400 : vector<1x128x512xf32> to vector<128x512xf32>
    %dot_general3A_402 = arith.constant dense<0.000000e+00> : vector<32x512xf32>
    %dot_general3A_403 = tpu.matmul %slice3A_396, %get3A_401, %dot_general3A_402 {dimension_numbers = #tpu.dot_dimension_numbers<[1], [0], [0], [1], [0, 0, 1, 1], [], []>, transpose_lhs_hint = false} : vector<32x128xf32>, vector<128x512xf32>, vector<32x512xf32> -> vector<32x512xf32>
    %add3A_404 = arith.addf %add3A_395, %dot_general3A_403 : vector<32x512xf32>
    %slice3A_405 = vector.extract_strided_slice %dot_general3A_384 {offsets = [64, 0], sizes = [32, 128], strides = [1, 1]} : vector<128x128xf32> to vector<32x128xf32>
    %get3A_406 = arith.constant 2 : index
    %get3A_407 = arith.constant 0 : index
    %get3A_408 = arith.constant 0 : index
    %get3A_409 = vector.load %arg2[%get3A_406, %get3A_407, %get3A_408] : memref<4x128x512xf32, #tpu.memory_space<vmem>>, vector<1x128x512xf32>
    %get3A_410 = vector.shape_cast %get3A_409 : vector<1x128x512xf32> to vector<128x512xf32>
    %dot_general3A_411 = arith.constant dense<0.000000e+00> : vector<32x512xf32>
    %dot_general3A_412 = tpu.matmul %slice3A_405, %get3A_410, %dot_general3A_411 {dimension_numbers = #tpu.dot_dimension_numbers<[1], [0], [0], [1], [0, 0, 1, 1], [], []>, transpose_lhs_hint = false} : vector<32x128xf32>, vector<128x512xf32>, vector<32x512xf32> -> vector<32x512xf32>
    %add3A_413 = arith.addf %add3A_404, %dot_general3A_412 : vector<32x512xf32>
    %slice3A_414 = vector.extract_strided_slice %dot_general3A_384 {offsets = [96, 0], sizes = [32, 128], strides = [1, 1]} : vector<128x128xf32> to vector<32x128xf32>
    %get3A_415 = arith.constant 3 : index
    %get3A_416 = arith.constant 0 : index
    %get3A_417 = arith.constant 0 : index
    %get3A_418 = vector.load %arg2[%get3A_415, %get3A_416, %get3A_417] : memref<4x128x512xf32, #tpu.memory_space<vmem>>, vector<1x128x512xf32>
    %get3A_419 = vector.shape_cast %get3A_418 : vector<1x128x512xf32> to vector<128x512xf32>
    %dot_general3A_420 = arith.constant dense<0.000000e+00> : vector<32x512xf32>
    %dot_general3A_421 = tpu.matmul %slice3A_414, %get3A_419, %dot_general3A_420 {dimension_numbers = #tpu.dot_dimension_numbers<[1], [0], [0], [1], [0, 0, 1, 1], [], []>, transpose_lhs_hint = false} : vector<32x128xf32>, vector<128x512xf32>, vector<32x512xf32> -> vector<32x512xf32>
    %add3A_422 = arith.addf %add3A_413, %dot_general3A_421 : vector<32x512xf32>
    %swap3A_423 = arith.constant 0 : index
    %swap3A_424 = arith.constant 0 : index
    %swap3A_425 = arith.constant 3584 : index
    %swap3A_426 = vector.load %arg4[%swap3A_423, %swap3A_424, %swap3A_425] : memref<1x32x4096xf32, #tpu.memory_space<vmem>>, vector<1x32x512xf32>
    %swap3A_427 = vector.shape_cast %swap3A_426 : vector<1x32x512xf32> to vector<32x512xf32>
    %swap3A_428 = vector.shape_cast %add3A_422 : vector<32x512xf32> to vector<1x32x512xf32>
    tpu.vector_store %arg4[%swap3A_423, %swap3A_424, %swap3A_425], %swap3A_428 {strides = array<i32>} : memref<1x32x4096xf32, #tpu.memory_space<vmem>>, vector<1x32x512xf32>,
    return
  }
  func.func @transform_0(%arg0: i32) -> (i32, i32, i32) {
    %c0_i32 = arith.constant 0 : i32
    %c0_i32_0 = arith.constant 0 : i32
    %c0_i32_1 = arith.constant 0 : i32
    return %arg0, %c0_i32, %c0_i32_0 : i32, i32, i32
  }
  func.func @transform_1(%arg0: i32) -> (i32, i32, i32) {
    %c0_i32 = arith.constant 0 : i32
    %c0_i32_0 = arith.constant 0 : i32
    %c0_i32_1 = arith.constant 0 : i32
    %c0_i32_2 = arith.constant 0 : i32
    return %c0_i32, %c0_i32_0, %c0_i32_1 : i32, i32, i32
  }
  func.func @transform_2(%arg0: i32) -> (i32, i32) {
    %c0_i32 = arith.constant 0 : i32
    %c0_i32_0 = arith.constant 0 : i32
    %c0_i32_1 = arith.constant 0 : i32
    return %c0_i32, %c0_i32_0 : i32, i32
  }
  func.func @transform_3(%arg0: i32) -> (i32, i32, i32) {
    %c0_i32 = arith.constant 0 : i32
    %c0_i32_0 = arith.constant 0 : i32
    %c0_i32_1 = arith.constant 0 : i32
    return %arg0, %c0_i32, %c0_i32_0 : i32, i32, i32
  }
}

</mosaic_0001>

<sc_bundles>
// kernel: kernel.5.cloned.1.call-start
scs
__scs_entry_jumppad:
0x0: {  	(pc) =	sbr.rel $0x88, $3  }
0x1: {  	(tag) =	ssettag $0x0;
	lr =	simm.s32 $0x1  }
0x2: {  	[smem:$0x3F9F] =	sst lr;
	_ =	strace $0xD0000000  }
0x3: {  	_ = 	snop  }
0x4: {  	_ = 	snop  }
0x5: {  	_ = 	snop  }
0x6: {  	_ = 	snop  }
0x7: {  	_ = 	snop  }
__scs_overlays_trampoline_lowered:
0x8: {  	[smem:$0x3FAE] =	sst s0  }
0x9: {  	[smem:$0x3FAF] =	sst s1  }
0xa: {  	[smem:$0x3FB0] =	sst s2  }
0xb: {  	[smem:$0x3FB1] =	sst s3  }
0xc: {  	[smem:$0x3FB2] =	sst s4  }
0xd: {  	[smem:$0x3FB3] =	sst s5  }
0xe: {  	[smem:$0x3FB4] =	sst s6  }
0xf: {  	[smem:$0x3FB5] =	sst s7  }
0x10: {  	[smem:$0x3FB6] =	sst s8  }
0x11: {  	[smem:$0x3FB7] =	sst s9;
	s0 =	simm.s32 @!p0 $0x0  }
0x12: {  	s1 =	sld [smem:$0x3F9D];
	s0 =	simm.s32 @p0 $0x1  }
0x13: {  	[smem:$0x3FB8] =	sst s0;
	s0 =	simm.s32 @!p1 $0x0  }
0x14: {  	s2 =	sld [smem:$0x3F9C];
	s0 =	simm.s32 @p1 $0x1  }
0x15: {  	[smem:$0x3FB9] =	sst s0;
	s0 =	simm.s32 @!p2 $0x0  }
0x16: {  	s3 =	sld [smem:$0x3FDB];
	s0 =	simm.s32 @p2 $0x1  }
0x17: {  	s4 =	simm.s32 $0x1BF5;
	[smem:$0x3FBB] =	sst s0  }
0x18: {  	s0 =	sld [smem:$0x3F9E];
	_ =	swait.ge [sflag:s4], $0x0  }
0x19: {  	s7 =	sld [smem:$0x3F9F]  }
0x1a: {  	s8 =	sadd.s32 $0xFFFFE003, lr  }
0x1b: {  	s9 =	sadd.s32 $0xFFFFFEF7, lr;
	s5 =	simm.s32 $0xFFFFFFFF;
	p2 =	slt.u32 s8, $0xFFFFF086  }
0x1c: {  	p1 =	slt.u32 s9, $0xF7A;
	s5 =	simm.s32 @!p2 $0x0  }
0x1d: {  	s5 =	simm.s32 @p1 $0x1;
	p0 =	seq.s32 s7, s2  }
0x1e: {  	s7 =	smul.u32 @!p0 $0xF7A, s2;
	p2 =	seq.s32 @!p0 s5, $0x0  }
0x1f: {  	s9 =	smul.u32 $0xF7A, s1;
	s8 =	simm.s32 @!p0 $0x1BF5;
	p2 =	por !p2, p0  }
0x20: {  	[sflag:s8] =	ssyncset.s32 @!p0 $0xFFFFF086;
	s6 =	sadd.s32 @!p0 s3, s7;
	s7 =	simm.s32 @!p0 $0x108  }
0x21: {  	s3 =	sadd.s32 s3, s9;
	s6 =	sadd.s32 @!p0 $0x88, s6;
	s7 =	simm.s32 @p2 $0x1082  }
0x22: {  	[simem:s7], [sflag:s8] =	dma.local @!p0 [hbm:s6], $0xF7A  }
0x23: {  	s9 =	sor.u32 $0xD0000000, s2;
	s6 =	simm.s32 $0x108;
	_ =	swait.ge @!p0 [sflag:s8], $0x0  }
0x24: {  	s3 =	sadd.s32 $0x88, s3;
	s6 =	simm.s32 @!p1 $0x1082;
	[sflag:s4] =	ssyncset.s32 $0xFFFFF086  }
0x25: {  	[simem:s6], [sflag:s4] =	dma.local [hbm:s3], $0xF7A  }
0x26: {  	[smem:$0x3F9F] =	sst s1;
	(tag) =	ssettag s2;
	_ =	strace s9  }
0x27: {  	s1 =	sld [smem:$0x3FAF]  }
0x28: {  	s2 =	sld [smem:$0x3FB0]  }
0x29: {  	s4 =	sld [smem:$0x3FB2]  }
0x2a: {  	p0 =	seq.s32 s5, $0x0;
	s5 =	sld [smem:$0x3FB3]  }
0x2b: {  	s6 =	sld [smem:$0x3FB4]  }
0x2c: {  	s7 =	sld [smem:$0x3FB5]  }
0x2d: {  	s3 =	simm.s32 $0x108;
	s8 =	sld [smem:$0x3FB6]  }
0x2e: {  	s3 =	simm.s32 @!p0 $0x1082;
	s9 =	sld [smem:$0x3FB7]  }
0x2f: {  	lr =	sadd.s32 s0, s3;
	s0 =	sld [smem:$0x3FAE]  }
0x30: {  	s3 =	sld [smem:$0x3FB1]  }
0x31: {  	[smem:$0x3FBA] =	sst s10  }
0x32: {  	s10 =	sld [smem:$0x3FB8];
	_ =	sdelay $0x3  }
0x33: {  	p0 =	seq.s32 s10, $0x1;
	s10 =	sld [smem:$0x3FBA];
	_ =	sdelay $0x3  }
0x34: {  	[smem:$0x3FBA] =	sst s10  }
0x35: {  	s10 =	sld [smem:$0x3FB9];
	_ =	sdelay $0x3  }
0x36: {  	p1 =	seq.s32 s10, $0x1;
	s10 =	sld [smem:$0x3FBA];
	_ =	sdelay $0x3  }
0x37: {  	[smem:$0x3FBA] =	sst s10  }
0x38: {  	s10 =	sld [smem:$0x3FBB]  }
0x39: {  	_ = 	snop;
	(pc) =	sbr.ind lr, $3  }
0x3a: {  	_ = 	snop  }
0x3b: {  	_ = 	snop  }
0x3c: {  	p2 =	seq.s32 s10, $0x1;
	s10 =	sld [smem:$0x3FBA]  }
0x3d: {  	_ =	shalt  }
0x3e: {  	_ =	shalt  }
0x3f: {  	_ =	shalt  }
0x40: {  	_ =	shalt  }
0x41: {  	_ =	shalt  }
0x42: {  	_ =	shalt  }
0x43: {  	_ =	shalt  }
0x44: {  	_ =	shalt  }
0x45: {  	_ =	shalt  }
0x46: {  	_ =	shalt  }
0x47: {  	_ =	shalt  }
0x48: {  	_ =	shalt  }
0x49: {  	_ =	shalt  }
0x4a: {  	_ =	shalt  }
0x4b: {  	_ =	shalt  }
0x4c: {  	_ =	shalt  }
0x4d: {  	_ =	shalt  }
0x4e: {  	_ =	shalt  }
0x4f: {  	_ =	shalt  }
0x50: {  	_ =	shalt  }
0x51: {  	_ =	shalt  }
0x52: {  	_ =	shalt  }
0x53: {  	_ =	shalt  }
0x54: {  	_ =	shalt  }
0x55: {  	_ =	shalt  }
0x56: {  	_ =	shalt  }
0x57: {  	_ =	shalt  }
0x58: {  	_ =	shalt  }
0x59: {  	_ =	shalt  }
0x5a: {  	_ =	shalt  }
0x5b: {  	_ =	shalt  }
0x5c: {  	_ =	shalt  }
0x5d: {  	_ =	shalt  }
0x5e: {  	_ =	shalt  }
0x5f: {  	_ =	shalt  }
0x60: {  	_ =	shalt  }
0x61: {  	_ =	shalt  }
0x62: {  	_ =	shalt  }
0x63: {  	_ =	shalt  }
0x64: {  	_ =	shalt  }
0x65: {  	_ =	shalt  }
0x66: {  	_ =	shalt  }
0x67: {  	_ =	shalt  }
0x68: {  	_ =	shalt  }
0x69: {  	_ =	shalt  }
0x6a: {  	_ =	shalt  }
0x6b: {  	_ =	shalt  }
0x6c: {  	_ =	shalt  }
0x6d: {  	_ =	shalt  }
0x6e: {  	_ =	shalt  }
0x6f: {  	_ =	shalt  }
0x70: {  	_ =	shalt  }
0x71: {  	_ =	shalt  }
0x72: {  	_ =	shalt  }
0x73: {  	_ =	shalt  }
0x74: {  	_ =	shalt  }
0x75: {  	_ =	shalt  }
0x76: {  	_ =	shalt  }
0x77: {  	_ =	shalt  }
0x78: {  	_ =	shalt  }
0x79: {  	_ =	shalt  }
0x7a: {  	_ =	shalt  }
0x7b: {  	_ =	shalt  }
0x7c: {  	_ =	shalt  }
0x7d: {  	_ =	shalt  }
0x7e: {  	_ =	shalt  }
0x7f: {  	_ =	shalt  }
0x80: {  	_ =	shalt  }
0x81: {  	_ =	shalt  }
0x82: {  	_ =	shalt  }
0x83: {  	_ =	shalt  }
0x84: {  	_ =	shalt  }
0x85: {  	_ =	shalt  }
0x86: {  	_ =	shalt  }
0x87: {  	_ =	shalt  }
.Lfunc_end0:
.L_simem_size_0:
called_computation_lowered:
.L_overlay_start_0:
0x88: {  	s2 =	sld [smem:$0x3FD9]  }
0x89: {  	s3 =	sld [smem:$0x3FFE];
	_ =	sdelay $0x1  }
0x8a: {  	s1 =	srdreg.scid  }
0x8b: {  	s0 =	sand.u32 $0x1, s1  }
0x8c: {  	s17 =	sshll.u32 s0, $0xA;
	s2 =	sadd.s32 s3, s2  }
0x8d: {  	s2 =	sadd.s32 s2, s17  }
0x8e: {  	[smem:$0x3FC6] =	sst s2  }
0x8f: {  	_ = 	snop  }
0x90: {  	s2 =	sld [smem:$0x3FD0];
	(tm) =	ssettm $0x1  }
0x91: {  	s18 =	sld [smem:$0x3FFB];
	_ =	sdelay $0x3  }
0x92: {  	_ =	strace s18  }
0x93: {  	s3 =	sld [smem:$0x3FFC];
	_ =	sdelay $0x3  }
0x94: {  	_ =	strace s3  }
0x95: {  	s3 =	sld [smem:$0x3FFD];
	_ =	sdelay $0x3  }
0x96: {  	_ =	strace s3  }
0x97: {  	_ =	strace $0x8FFFFFFF  }
0x98: {  	s19 =	sld [smem:$0x3FDB];
	_ =	sdelay $0x1  }
0x99: {  	s4 =	simm.s32 $_scs_section_size  }
0x9a: {  	s5 =	simm.s32 $_size__tile_overlayer_lowered;
	s6 =	simm.s32 $_tile_overlayer_lowered  }
0x9b: {  	s22 =	simm.s32 $0x1BFF;
	s21 =	sshll.u32 s6, $0x1;
	s3 =	sadd.s32 s4, s19  }
0x9c: {  	s7 =	simm.s32 $0x0;
	s20 =	sshll.u32 s5, $0x1;
	s5 =	sadd.s32 s21, s3  }
0x9d: {  	[timem:s7], [sflag:s22] =	dma.local [hbm:s5], s20  }
0x9e: {  	_ =	swait.ge [sflag:s22], s20  }
0x9f: {  	s4 =	ssub.s32 $0x0, s20;
	[sflag:s22] =	ssyncset.done $0x0  }
0xa0: {  	[sflag:s22] =	ssyncadd.s32 s4;
	_ =	sdelay $0x1  }
0xa1: {  	s23 =	simm.s32 $0x1B8B  }
0xa2: {  	_ =	swait.ge [sflag:s23], $0x1  }
0xa3: {  	[sflag:s23] =	ssyncset.done $0x0  }
0xa4: {  	s25 =	simm.s32 $0x1B8E;
	s24 =	sld [smem:$0x3FFE];
	[sflag:s23] =	ssyncadd.s32 $0xFFFFFFFF  }
0xa5: {  	s26 =	simm.s32 $execute0_lowered;
	[smem:$0x3FD2] =	sst s25  }
0xa6: {  	s5 =	sshll.u32 s26, $0x1;
	_ =	strace $0x80000046;
	[dreg:$0x1] =	wrdreg $0xFFFFFFFF  }
0xa7: {  	s28 =	simm.s32 $_size_execute0_lowered;
	s3 =	sadd.s32 s3, s5;
	[dreg:$0x0] =	wrdreg $0x0  }
0xa8: {  	s5 =	sshll.u32 s28, $0x1;
	[dreg:$0x2] =	wrdreg s3  }
0xa9: {  	[dreg:$0x3] =	wrdreg s5  }
0xaa: {  	[dreg:$0x4] =	wrdreg $0xC0  }
0xab: {  	_ =	task [dreg:s7], $0x5FFFF  }
0xac: {  	[dreg:$0x1] =	wrdreg $0xFFFFFFFF  }
0xad: {  	[dreg:$0x0] =	wrdreg $0x60  }
0xae: {  	[dreg:$0x2] =	wrdreg s24  }
0xaf: {  	[dreg:$0x3] =	wrdreg s2  }
0xb0: {  	[dreg:$0x4] =	wrdreg $0x9  }
0xb1: {  	_ =	task.clear_ibuf [dreg:s7], $0x5FFFF;
	_ =	strace $0x90000046  }
0xb2: {  	s29 =	simm.s32 $0x9;
	_ =	strace $0x8000004F  }
0xb3: {  	_ =	swait.ge [sflag:s29], $0x1  }
0xb4: {  	[sflag:s29] =	ssyncadd.s32 $0xFFFFFFFF  }
0xb5: {  	_ =	strace $0x9000004F  }
0xb6: {  	_ =	sfence  }
0xb7: {  	s30 =	sld [smem:$0x0];
	_ =	sdelay $0x2  }
0xb8: {  	s31 =	sshll.u32 s1, $0xD;
	s1 =	sshrl.u32 s1, $0x2  }
0xb9: {  	s3 =	sand.u32 $0x4000, s31;
	s1 =	sadd.s32 s1, s30  }
0xba: {  	s0 =	sor.u32 s3, s0;
	s1 =	sshll.u32 s1, $0x11  }
0xbb: {  	s0 =	sor.u32 s1, s0  }
0xbc: {  	s0 =	sadd.s32 $0x8F2B, s0  }
0xbd: {  	[sflag:s0] =	ssyncadd.remote.s32 $0x1  }
0xbe: {  	_ =	sfence.sel $0xFFFF  }
0xbf: {  	[dreg:$0x0] =	wrdreg $0xFFFFFFFF;
	(pc) =	sbr.abs _section_cstart, $3  }
0xc0: {  	[dreg:$0x1] =	wrdreg $0xFFFFFFFF  }
0xc1: {  	_ =	task.clear_ibuf [dreg:s7], $0x2FFFF;
	_ =	strace $0x9FFFFFFF  }
0xc2: {  	(tm) =	ssettm $0x7FFFFFFF  }
0xc3: {  	_ =	shalt  }
tec
execute0_lowered:
.L_overlay_start_1:
0x0: {  	(tag) =	ssettag $0x1  }
0x1: {  	s4 =	rddreg [dreg:$0x0]  }
0x2: {  	s1 =	rddreg [dreg:$0x1]  }
0x3: {  	s0 =	rddreg [dreg:$0x2];
	s2 =	simm.s32 $0x0  }
0x4: {  	s3 =	srdreg.scid;
	s31 =	simm.s32 $0x200;
	s9 =	simm.s32 $0x4  }
0x5: {  	s10 =	simm.s32 $0x0;
	[smem:$0x7FF] =	sst s2;
	s5 =	sand.u32 $0x1, s3  }
0x6: {  	s6 =	sadd.s32 $0x1000, s4;
	s3 =	stileid.u32;
	s4 =	sadd.s32 $0x401000, s4  }
0x7: {  	_ =	strace $0x80000047;
	s7 =	sshll.u32 s5, $0x4;
	s5 =	ssub.s32 $0x2, s5  }
0x8: {  	[dreg:$0x3] =	wrdreg s6;
	s29 =	sor.u32 s3, s7;
	s30 =	sshrl.u32 s5, $0x1  }
0x9: {  	[dreg:$0x5] =	wrdreg s4;
	s8 =	smul.u32 $0xC80, s29;
	s7 =	ssub.s32 s5, s30  }
0xa: {  	[dreg:$0x4] =	wrdreg s31;
	s4 =	smul.u32 $0x32, s29;
	s6 =	smax.u32 s7, $0x1  }
0xb: {  	s7 =	simm.s32 $0x1;
	s5 =	sadd.s32 s1, s8;
	s8 =	simm.s32 $0x5  }
.LBB2_1:
0xc: {  	_ =	strace $0x80000048;
	s11 =	simm.s32 $0x1;
	p0 =	por $0x0, $0x0  }
0xd: {  	[tilespmem:s2], [sflag:$0x1] =	stream.linear.gather [hbm4b:s5+s2], $0x200, $0x200038;
	[tilespmem:$0x8400] =	vst v63  }
0xe: {  	s11 =	simm.s32 @p0 $0x0  }
0xf: {  	p4 =	por $0x1, $0x1;
	s20 =	sand.u32 $0x1, s2;
	p1 =	sne.s32 s11, $0x0  }
0x10: {  	p2 =	por $0x1, $0x1;
	s18 =	simm.s32 $0x30;
	p0 =	por !p4, !p1  }
0x11: {  	s16 =	simm.s32 $0x0;
	p5 =	por $0x0, $0x0;
	p0 =	por !p0, !p0  }
0x12: {  	s23 =	sadd.s32 $0x0, s4;
	s30 =	sadd.s32 $0x1, s20;
	s12 =	sadd.s32 @p0 s4, s11  }
0x13: {  	_ =	strace $0x90000048;
	s13 =	sand.u32 @p0 $0x1, s7;
	s12 =	sshll.u32 @p0 s12, $0x6  }
0x14: {  	_ =	strace @p0 $0x80000049;
	s15 =	simm.s32 @p0 $0x0;
	s12 =	sand.u32 @p0 $0x1FFFFFC0, s12  }
0x15: {  	s14 =	sshll.u32 @p0 s13, $0x9;
	s13 =	sadd.s32 @p0 $0x1, s13;
	s12 =	sadd.s32 @p0 s1, s12  }
0x16: {  	[tilespmem:s14], [sflag:s13] =	stream.linear.gather @p0 [hbm4b:s12+s15], $0x200, $0x200038;
	[tilespmem:$0x8400] =	vst v63  }
0x17: {  	p3 =	por p2, p2;
	s21 =	sshll.u32 s20, $0xE;
	_ =	strace @p0 $0x90000049  }
0x18: {  	s16 =	sand.u32 $0x200, s16;
	p2 =	por p5, p5;
	_ =	strace $0x8000004A  }
0x19: {  	s17 =	sadd.s32 $0x1, s11;
	s22 =	sor.u32 $0x400, s21;
	_ =	swait.ge [sflag:s30], $0x200  }
0x1a: {  	s21 =	simm.s32 $0x1;
	p6 =	por p1, p1;
	[sflag:s30] =	ssyncset.done $0x0  }
0x1b: {  	p1 =	por p3, p3;
	p4 =	por $0x1, $0x1;
	[sflag:s30] =	ssyncadd.s32 $0xFFFFFE00  }
0x1c: {  	s12 =	simm.s32 $0x31;
	s15 =	sand.u32 @!p3 $0x1, s2;
	_ =	strace $0x9000004A  }
0x1d: {  	s13 =	simm.s32 $0x1;
	p3 =	seq.s32 s17, $0x32;
	_ =	strace $0x8000004B  }
0x1e: {  	s13 =	simm.s32 @!p0 $0x0;
	s17 =	simm.s32 @p3 $0x0;
	s19 =	rddreg [dreg:$0x4]  }
0x1f: {  	p0 =	por $0x0, $0x0;
	s14 =	sadd.s32 $0x1, s13;
	s31 =	rddreg [dreg:$0x3]  }
0x20: {  	[tilespmem:s22], [sflag:$0x5] =	stream.indirect.gather [hbm4b:s31+s19], $0x20, s16, s19, $0x2000b8;
	[tilespmem:$0x8400] =	vst v63  }
0x21: {  	p3 =	sne.s32 s11, s17;
	s21 =	simm.s32 @!p0 $0x0;
	_ =	swait.ge [sflag:s8], $0x4000  }
0x22: {  	p5 =	por !p4, !p3;
	p4 =	por $0x0, $0x0;
	[sflag:s8] =	ssyncset.done $0x0  }
0x23: {  	s13 =	simm.s32 $0x0;
	p6 =	por p4, p6;
	[sflag:s8] =	ssyncadd.s32 $0xFFFFC000  }
0x24: {  	s16 =	simm.s32 $0x0;
	s19 =	simm.s32 $0x0;
	_ =	strace $0x9000004B  }
.LBB2_2:
0x25: {  	_ =	strace @p6 $0x8000004C;
	s13 =	sadd.s32 s21, s13;
	s21 =	smov.u32 s12  }
0x26: {  	s12 =	smov.u32 s18;
	s18 =	sadd.s32 $0xFFFFFFFF, s18;
	p0 =	por p3, p3  }
0x27: {  	s28 =	sshll.u32 @p6 s23, $0xB;
	s20 =	sadd.s32 @p6 $0x3, s20;
	s24 =	simm.s32 @!p0 $0x0  }
0x28: {  	s25 =	rddreg [dreg:$0x5];
	s28 =	sand.u32 @p6 $0x1FFFF800, s28;
	s24 =	simm.s32 @p0 $0x1  }
0x29: {  	s25 =	sadd.s32 @p6 s25, s28;
	s28 =	simm.s32 @p6 $0x0;
	p0 =	sne.s32 s18, $0x0  }
0x2a: {  	[hbm4b:s25+s28] =	stream.linear.scatter @p6 [tilespmem:s22], [sflag:s20], $0x4000, $0x200038;
	[tilespmem:$0x8400] =	vst v63  }
0x2b: {  	s20 =	sadd.s32 @!p1 $0x3, s15;
	s15 =	simm.s32 @!p0 $0x0  }
0x2c: {  	s26 =	simm.s32 $0x1;
	[smem:$0x7FC] =	sst s24;
	s15 =	simm.s32 @p0 $0x1  }
0x2d: {  	s26 =	simm.s32 @!p6 $0x0;
	_ =	strace @p6 $0x9000004C;
	[smem:$0x7FD] =	sst s15  }
0x2e: {  	p5 =	por !p5, !p5;
	s19 =	sadd.s32 s26, s19;
	_ =	strace @!p1 $0x8000004D  }
0x2f: {  	s24 =	sand.u32 @!p2 $0x1, s13;
	s22 =	sand.u32 @p5 $0x1, s14;
	_ =	swait.ge @!p1 [sflag:s20], $0x4000  }
0x30: {  	s15 =	smov.u32 s24;
	s24 =	sadd.s32 @p5 s4, s17;
	[sflag:s20] =	ssyncset.done @!p1 $0x0  }
0x31: {  	s25 =	sshll.u32 @p5 s22, $0x9;
	s24 =	sshll.u32 @p5 s24, $0x6;
	[sflag:s20] =	ssyncadd.s32 @!p1 $0xFFFFC000  }
0x32: {  	s20 =	sadd.s32 @p5 $0x1, s22;
	s22 =	sand.u32 @p5 $0x1FFFFFC0, s24;
	_ =	strace @!p1 $0x9000004D  }
0x33: {  	s24 =	simm.s32 @p5 $0x0;
	s22 =	sadd.s32 @p5 s1, s22;
	_ =	strace @p5 $0x80000049  }
0x34: {  	[tilespmem:s25], [sflag:s20] =	stream.linear.gather @p5 [hbm4b:s22+s24], $0x200, $0x200038;
	[tilespmem:$0x8400] =	vst v63  }
0x35: {  	s16 =	sadd.s32 s26, s16;
	s26 =	sand.u32 $0x1, s19;
	_ =	strace @p5 $0x90000049  }
0x36: {  	s24 =	sadd.s32 $0x1, s26;
	_ =	strace $0x8000004A  }
0x37: {  	_ =	swait.ge [sflag:s24], $0x200  }
0x38: {  	[sflag:s24] =	ssyncset.done $0x0  }
0x39: {  	s20 =	simm.s32 $0x1;
	[sflag:s24] =	ssyncadd.s32 $0xFFFFFE00  }
0x3a: {  	s20 =	simm.s32 @!p5 $0x0;
	_ =	strace $0x9000004A  }
0x3b: {  	s14 =	sadd.s32 s20, s14;
	s20 =	sand.u32 $0x1, s16;
	_ =	strace $0x8000004B  }
0x3c: {  	s29 =	sshll.u32 s19, $0x9;
	s25 =	sshll.u32 s20, $0xE;
	s26 =	rddreg [dreg:$0x4]  }
0x3d: {  	s29 =	sand.u32 $0x200, s29;
	s22 =	sor.u32 $0x400, s25;
	s30 =	rddreg [dreg:$0x3]  }
0x3e: {  	[tilespmem:s22], [sflag:$0x5] =	stream.indirect.gather [hbm4b:s30+s26], $0x20, s29, s26, $0x2000b8;
	[tilespmem:$0x8400] =	vst v63  }
0x3f: {  	_ =	swait.ge [sflag:s8], $0x4000  }
0x40: {  	s31 =	sadd.s32 $0x1, s17;
	[sflag:s8] =	ssyncset.done $0x0  }
0x41: {  	s23 =	sadd.s32 s4, s11;
	s11 =	smov.u32 s17;
	[sflag:s8] =	ssyncadd.s32 $0xFFFFC000  }
0x42: {  	p3 =	seq.s32 s31, $0x32;
	s17 =	smov.u32 s31;
	_ =	strace $0x9000004B  }
0x43: {  	s17 =	simm.s32 @p3 $0x0;
	s31 =	sld [smem:$0x7FD]  }
0x44: {  	p6 =	sne.s32 s12, $0x1;
	p0 =	sne.s32 s21, $0x32;
	p3 =	sne.s32 s11, s17  }
0x45: {  	p5 =	por !p6, !p3;
	p6 =	seq.s32 s21, $0x1;
	s21 =	simm.s32 $0x1  }
0x46: {  	s21 =	simm.s32 @!p0 $0x0;
	p0 =	seq.s32 s31, $0x1  }
.Ltmp0:
0x47: {  	s30 =	sld [smem:$0x7FC];
	(pc) =	sbr.rel @p0 .LBB2_2-.Ltmp0, $4  }
0x48: {  	_ = 	snop  }
0x49: {  	p4 =	seq.s32 s12, $0x32  }
0x4a: {  	p1 =	por p2, p2;
	p2 =	por p4, p4;
	p4 =	seq.s32 s30, $0x1  }
0x4b: {  	p6 =	por p6, p4  }
0x4c: {  	_ =	strace @p6 $0x8000004C;
	s23 =	sshll.u32 @p6 s23, $0xB  }
0x4d: {  	s18 =	rddreg [dreg:$0x5];
	s23 =	sand.u32 @p6 $0x1FFFF800, s23  }
0x4e: {  	s20 =	sadd.s32 @p6 $0x3, s20;
	s18 =	sadd.s32 @p6 s18, s23;
	s23 =	simm.s32 @p6 $0x0  }
0x4f: {  	[hbm4b:s18+s23] =	stream.linear.scatter @p6 [tilespmem:s22], [sflag:s20], $0x4000, $0x200038;
	[tilespmem:$0x8400] =	vst v63  }
0x50: {  	p0 =	por !p5, !p5;
	_ =	strace @p6 $0x9000004C  }
0x51: {  	s15 =	sadd.s32 @!p1 $0x3, s15;
	s17 =	sadd.s32 @p0 s4, s17;
	_ =	strace @!p1 $0x8000004D  }
0x52: {  	s14 =	sand.u32 @p0 $0x1, s14;
	s17 =	sshll.u32 @p0 s17, $0x6;
	_ =	swait.ge @!p1 [sflag:s15], $0x4000  }
0x53: {  	s18 =	simm.s32 $0x1;
	s20 =	sshll.u32 @p0 s14, $0x9;
	[sflag:s15] =	ssyncset.done @!p1 $0x0  }
0x54: {  	s14 =	sadd.s32 @p0 $0x1, s14;
	s18 =	simm.s32 @!p6 $0x0;
	[sflag:s15] =	ssyncadd.s32 @!p1 $0xFFFFC000  }
0x55: {  	s19 =	sadd.s32 s18, s19;
	s15 =	sand.u32 @p0 $0x1FFFFFC0, s17;
	_ =	strace @!p1 $0x9000004D  }
0x56: {  	s17 =	simm.s32 @p0 $0x0;
	s15 =	sadd.s32 @p0 s1, s15;
	_ =	strace @p0 $0x80000049  }
0x57: {  	[tilespmem:s20], [sflag:s14] =	stream.linear.gather @p0 [hbm4b:s15+s17], $0x200, $0x200038;
	[tilespmem:$0x8400] =	vst v63  }
0x58: {  	s25 =	sand.u32 $0x1, s19;
	_ =	strace @p0 $0x90000049  }
0x59: {  	s14 =	sadd.s32 $0x1, s25;
	_ =	strace $0x8000004A  }
0x5a: {  	_ =	swait.ge [sflag:s14], $0x200  }
0x5b: {  	[sflag:s14] =	ssyncset.done $0x0  }
0x5c: {  	[sflag:s14] =	ssyncadd.s32 $0xFFFFFE00  }
0x5d: {  	s26 =	sadd.s32 s18, s16;
	_ =	strace $0x9000004A  }
0x5e: {  	s14 =	sand.u32 $0x1, s26;
	_ =	strace $0x8000004B  }
0x5f: {  	s30 =	sshll.u32 s19, $0x9;
	s31 =	sshll.u32 s14, $0xE;
	s28 =	rddreg [dreg:$0x4]  }
0x60: {  	s17 =	sand.u32 $0x200, s30;
	s18 =	sor.u32 $0x400, s31;
	s29 =	rddreg [dreg:$0x3]  }
0x61: {  	[tilespmem:s18], [sflag:$0x5] =	stream.indirect.gather [hbm4b:s29+s28], $0x20, s17, s28, $0x2000b8;
	[tilespmem:$0x8400] =	vst v63  }
0x62: {  	_ =	swait.ge [sflag:s8], $0x4000  }
0x63: {  	[sflag:s8] =	ssyncset.done $0x0  }
0x64: {  	p5 =	por p3, p3;
	p6 =	seq.s32 s12, $0x1;
	[sflag:s8] =	ssyncadd.s32 $0xFFFFC000  }
0x65: {  	s11 =	sadd.s32 s4, s11;
	p0 =	por p6, p5;
	_ =	strace $0x9000004B  }
0x66: {  	s11 =	sshll.u32 @p0 s11, $0xB;
	_ =	strace @p0 $0x8000004C  }
0x67: {  	s13 =	sadd.s32 s21, s13;
	s11 =	sand.u32 @p0 $0x1FFFF800, s11;
	s12 =	rddreg [dreg:$0x5]  }
0x68: {  	s14 =	sadd.s32 @p0 $0x3, s14;
	s11 =	sadd.s32 @p0 s12, s11;
	s12 =	simm.s32 @p0 $0x0  }
0x69: {  	[hbm4b:s11+s12] =	stream.linear.scatter @p0 [tilespmem:s18], [sflag:s14], $0x4000, $0x200038;
	[tilespmem:$0x8400] =	vst v63  }
0x6a: {  	p1 =	por p2, p2;
	s11 =	sand.u32 @!p2 $0x1, s13;
	_ =	strace @p0 $0x9000004C  }
0x6b: {  	s11 =	sadd.s32 @!p1 $0x3, s11;
	_ =	strace @!p1 $0x8000004D  }
0x6c: {  	_ =	swait.ge @!p1 [sflag:s11], $0x4000  }
0x6d: {  	[sflag:s11] =	ssyncset.done @!p1 $0x0  }
0x6e: {  	s10 =	sadd.s32 $0x1, s10;
	[sflag:s11] =	ssyncadd.s32 @!p1 $0xFFFFC000  }
0x6f: {  	p0 =	sne.s32 s10, s6;
	_ =	strace @!p1 $0x9000004D  }
.Ltmp1:
0x70: {  	_ =	strace $0x8000004E;
	(pc) =	sbr.rel @p0 .LBB2_1-.Ltmp1, $4  }
0x71: {  	_ =	swait.ge [sflag:s9], $0x4000  }
0x72: {  	[sflag:s9] =	ssyncset.done $0x0  }
0x73: {  	[sflag:s9] =	ssyncadd.s32 $0xFFFFC000  }
0x74: {  	_ =	strace $0x9000004E  }
0x75: {  	_ =	sfence.sel $0x180000  }
0x76: {  	[bflag:$0x0] =	sbarrier.arrive $0xFFFF  }
0x77: {  	p0 =	sne.s32 s3, $0x0;
	_ =	strace $0x90000047  }
0x78: {  	s0 =	sadd.s32 @!p0 $0x100000, s0;
	[bflag:$0x2] =	sbarrier.arrive $0xFFFF  }
0x79: {  	[sflag:s0] =	ssyncadd.tile.s32 @!p0 $0x1;
	_ =	shalt  }
.Lfunc_end2:
_tile_overlayer_lowered:
.L_overlay_start_2:
0x7a: {  	(tag) =	ssettag $0x2  }
0x7b: {  	s0 =	rddreg [dreg:$0x0];
	s2 =	stileid.u32  }
0x7c: {  	s1 =	rddreg [dreg:$0x1];
	p0 =	sne.s32 s2, $0x0  }
0x7d: {  	s3 =	rddreg [dreg:$0x2];
	[bflag:$0x3] =	sbarrier.arrive $0xFFFF;
	s2 =	simm.s32 @!p0 $0x1C01  }
0x7e: {  	[timem:s3], [sflag:s2] =	dma.local @!p0 [hbm:s0], s1  }
0x7f: {  	s0 =	simm.s32 @!p0 $0x1  }
0x80: {  	_ =	swait.ge @!p0 [sflag:s0], s1  }
0x81: {  	s1 =	ssub.s32 @!p0 $0x0, s1;
	[sflag:s0] =	ssyncset.done @!p0 $0x0  }
0x82: {  	[sflag:s0] =	ssyncadd.s32 @!p0 s1  }
0x83: {  	[bflag:$0x3] =	sbarrier.arrive $0xFFFF  }
0x84: {  	_ =	shalt  }

</sc_bundles>
